<compile_context>
chip_gen: v7x
topology: tpu7x:2x2x1
jax: 0.10.2.dev20260603
libtpu: 0.0.44.dev20260713+nightly
codegen_flags: <defaults>
</compile_context>

<pallas_src>
import functools

import jax
import jax.numpy as jnp
from jax import lax
from jax.experimental import pallas as pl
from jax.experimental.pallas import tpu as pltpu
from jax.experimental.pallas import tpu_sc as plsc

D_MODEL = 4096
NUM_CORES = 2
NUM_SUBCORES = 16
NUM_WORKERS = NUM_CORES * NUM_SUBCORES
TOTAL_IDS = 8192
IDS_PER_WORKER = TOTAL_IDS // NUM_WORKERS
CHUNK = 4
NUM_CHUNKS = IDS_PER_WORKER // CHUNK


NBUF = 4


def _make_emb_kernel():
    mesh = plsc.VectorSubcoreMesh(core_axis_name="c", subcore_axis_name="s")

    @functools.partial(
        pl.kernel,
        mesh=mesh,
        out_type=jax.ShapeDtypeStruct((TOTAL_IDS, D_MODEL), jnp.float32),
        scratch_types=[
            pltpu.VMEM((NUM_CHUNKS, CHUNK), jnp.int32),
            pltpu.VMEM((NBUF, CHUNK, D_MODEL), jnp.float32),
        ] + [pltpu.SemaphoreType.DMA] * (2 * NBUF),
    )
    def emb(idx0_hbm, idx1_hbm, table_hbm, out_hbm, idx_v, rows_v, *sems):
        gsems = sems[:NBUF]
        ssems = sems[NBUF:]
        cid = lax.axis_index("c")
        sid = lax.axis_index("s")
        wid = cid * NUM_SUBCORES + sid
        base = wid * IDS_PER_WORKER

        @pl.when(cid == 0)
        def _():
            pltpu.sync_copy(idx0_hbm.at[sid], idx_v)

        @pl.when(cid == 1)
        def _():
            pltpu.sync_copy(idx1_hbm.at[sid], idx_v)

        def start_gather(i, b):
            pltpu.async_copy(table_hbm.at[idx_v.at[i]], rows_v.at[b], gsems[b])

        def wait_gather(i, b):
            pltpu.make_async_copy(
                table_hbm.at[idx_v.at[i]], rows_v.at[b], gsems[b]
            ).wait()

        def start_store(i, b):
            pltpu.async_copy(
                rows_v.at[b], out_hbm.at[pl.ds(base + i * CHUNK, CHUNK)], ssems[b]
            )

        def wait_store(i, b):
            pltpu.make_async_copy(
                rows_v.at[b], out_hbm.at[pl.ds(base + i * CHUNK, CHUNK)], ssems[b]
            ).wait()

        for b in range(NBUF):
            start_gather(b, b)

        def group(g, carry):
            for b in range(NBUF):
                i = g * NBUF + b
                wait_gather(i, b)
                start_store(i, b)
            for b in range(NBUF):
                i = g * NBUF + b
                wait_store(i, b)

                @pl.when(i + NBUF < NUM_CHUNKS)
                def _():
                    start_gather(i + NBUF, b)

            return carry

        lax.fori_loop(0, NUM_CHUNKS // NBUF, group, 0)

    return emb


_emb = _make_emb_kernel()


def kernel(input_ids, wte):
    input_shape = input_ids.shape
    flat = input_ids.reshape(-1).astype(jnp.int32)
    idx4 = flat.reshape(NUM_CORES, NUM_SUBCORES, NUM_CHUNKS, CHUNK)
    out = _emb(idx4[0], idx4[1], wte)
    return out.reshape((-1, input_shape[-1], D_MODEL))

# --- scband reference (transcript-rebuilt; emitter-appended) ---
"""Pipeline reference for scband-gptjembedding-layer-72782515798867 (READ-ONLY COPY).

The authoritative reference and input builder live on the scoring server;
editing this copy changes nothing except your own understanding.
"""

import jax, jax.numpy as jnp
import numpy as np

VOCAB = 50400
D_MODEL = 4096
BATCH = 4
SEQ = 2048

def setup_inputs(seed: int = 0) -> dict:
    key = jax.random.key(seed)
    k1, k2 = jax.random.split(key)
    input_ids = jax.random.randint(k1, (BATCH, SEQ), 0, VOCAB, dtype=jnp.int64 if jax.config.jax_enable_x64 else jnp.int32)
    wte = jax.random.normal(k2, (VOCAB, D_MODEL), dtype=jnp.float32) * 0.02
    return {"input_ids": input_ids, "wte": wte}

def reference(input_ids, wte):
    # GPTJEmbeddingLayer.forward: flatten to (-1, seq), embed, dropout (eval -> identity)
    input_shape = input_ids.shape
    input_ids_flat = input_ids.reshape(-1, input_shape[-1])
    # position_ids computed but unused for output (no positional embedding added in GPT-J wte path)
    position_ids = jnp.arange(0, input_shape[-1], dtype=jnp.int32)
    position_ids = position_ids[None, :].reshape(-1, input_shape[-1])
    inputs_embeds = jnp.take(wte, input_ids_flat, axis=0)
    hidden_states = inputs_embeds  # dropout is identity in eval mode
    return hidden_states

if __name__ == "__main__":
    import jax
    _d = setup_inputs()
    print(jax.jit(kernel)(*tuple(_d.values())))

</pallas_src>

<mosaic_0001>
#map = affine_map<(d0, d1) -> (0, 0, 0)>
#map1 = affine_map<(d0, d1) -> (0, 0)>
module attributes {stable_mosaic.version = 14 : i64} {
  func.func @emb(%arg0: i32, %arg1: i32, %arg2: memref<16x64x4xi32, #tpu.memory_space<hbm>>, %arg3: memref<16x64x4xi32, #tpu.memory_space<hbm>>, %arg4: memref<50400x4096xf32, #tpu.memory_space<hbm>>, %arg5: memref<8192x4096xf32, #tpu.memory_space<hbm>>, %arg6: memref<64x4xi32, #tpu.memory_space<vmem>>, %arg7: memref<4x4x4096xf32, #tpu.memory_space<vmem>>, %arg8: memref<!tpu.dma_semaphore, #tpu.memory_space<semaphore_mem>>, %arg9: memref<!tpu.dma_semaphore, #tpu.memory_space<semaphore_mem>>, %arg10: memref<!tpu.dma_semaphore, #tpu.memory_space<semaphore_mem>>, %arg11: memref<!tpu.dma_semaphore, #tpu.memory_space<semaphore_mem>>, %arg12: memref<!tpu.dma_semaphore, #tpu.memory_space<semaphore_mem>>, %arg13: memref<!tpu.dma_semaphore, #tpu.memory_space<semaphore_mem>>, %arg14: memref<!tpu.dma_semaphore, #tpu.memory_space<semaphore_mem>>, %arg15: memref<!tpu.dma_semaphore, #tpu.memory_space<semaphore_mem>>) attributes {dimension_semantics = [#tpu.dimension_semantics<core_parallel>, #tpu.dimension_semantics<subcore_parallel>], iteration_bounds = array<i64: 2, 16>, scalar_prefetch = 0 : i64, scratch_operands = 10 : i64, tpu.core_type = #tpu.core_type<sc_vector_subcore>, window_params = [{transform_indices = #map}, {transform_indices = #map}, {transform_indices = #map1}, {transform_indices = #map1}]} {
    %mul3A = arith.constant 16 : i32
    %mul3A_0 = arith.muli %arg0, %mul3A : i32
    %add3A = arith.addi %mul3A_0, %arg1 : i32
    %mul3A_1 = arith.constant 256 : i32
    %mul3A_2 = arith.muli %add3A, %mul3A_1 : i32
    %eq3A = arith.constant 0 : i32
    %eq3A_3 = arith.cmpi eq, %arg0, %eq3A : i32
    %convert_element_type3A = arith.extui %eq3A_3 : i1 to i32
    %cond3A = arith.constant 0 : i32
    %cond3A_4 = arith.cmpi ne, %convert_element_type3A, %cond3A : i32
    scf.if %cond3A_4 {
      "tpu.region"() ({
        %run_scoped3A = tpu.sem_alloc : memref<!tpu.dma_semaphore, #tpu.memory_space<semaphore_mem>>
        %dma_start3A_62 = arith.constant 0 : i32
        %dma_start3A_63 = arith.constant 0 : i32
        %dma_start3A_64 = tpu.memref_slice %arg2[%arg1, %dma_start3A_62, %dma_start3A_63] : memref<16x64x4xi32, #tpu.memory_space<hbm>> -> memref<1x64x4xi32, #tpu.memory_space<hbm>>
        %dma_start3A_65 = tpu.memref_squeeze %dma_start3A_64 : memref<1x64x4xi32, #tpu.memory_space<hbm>> -> memref<64x4xi32, #tpu.memory_space<hbm>>
        %dma_start3A_66 = arith.constant 0 : i32
        %dma_start3A_67 = arith.constant 0 : i32
        %dma_start3A_68 = tpu.memref_slice %arg2[%arg1, %dma_start3A_66, %dma_start3A_67] : memref<16x64x4xi32, #tpu.memory_space<hbm>> -> memref<1x64x4xi32, #tpu.memory_space<hbm>>
        %dma_start3A_69 = tpu.memref_squeeze %dma_start3A_68 : memref<1x64x4xi32, #tpu.memory_space<hbm>> -> memref<64x4xi32, #tpu.memory_space<hbm>>
        tpu.enqueue_dma source(%dma_start3A_69 : memref<64x4xi32, #tpu.memory_space<hbm>>) target(%arg6 : memref<64x4xi32, #tpu.memory_space<vmem>>) target_semaphore(%run_scoped3A : memref<!tpu.dma_semaphore, #tpu.memory_space<semaphore_mem>>)
        %dma_wait3A = arith.constant 0 : i32
        %dma_wait3A_70 = arith.constant 0 : i32
        %dma_wait3A_71 = tpu.memref_slice %arg2[%arg1, %dma_wait3A, %dma_wait3A_70] : memref<16x64x4xi32, #tpu.memory_space<hbm>> -> memref<1x64x4xi32, #tpu.memory_space<hbm>>
        %dma_wait3A_72 = tpu.memref_squeeze %dma_wait3A_71 : memref<1x64x4xi32, #tpu.memory_space<hbm>> -> memref<64x4xi32, #tpu.memory_space<hbm>>
        %dma_wait3A_73 = arith.constant 0 : i32
        %dma_wait3A_74 = arith.constant 0 : i32
        %dma_wait3A_75 = tpu.memref_slice %arg2[%arg1, %dma_wait3A_73, %dma_wait3A_74] : memref<16x64x4xi32, #tpu.memory_space<hbm>> -> memref<1x64x4xi32, #tpu.memory_space<hbm>>
        %dma_wait3A_76 = tpu.memref_squeeze %dma_wait3A_75 : memref<1x64x4xi32, #tpu.memory_space<hbm>> -> memref<64x4xi32, #tpu.memory_space<hbm>>
        tpu.wait_dma2 semaphore(%run_scoped3A : memref<!tpu.dma_semaphore, #tpu.memory_space<semaphore_mem>>) src(%dma_wait3A_76 : memref<64x4xi32, #tpu.memory_space<hbm>>) dst(%arg6 : memref<64x4xi32, #tpu.memory_space<vmem>>)
        tpu.yield
      }) : () -> ()
    } else {
    }
    %eq3A_5 = arith.constant 1 : i32
    %eq3A_6 = arith.cmpi eq, %arg0, %eq3A_5 : i32
    %convert_element_type3A_7 = arith.extui %eq3A_6 : i1 to i32
    %cond3A_8 = arith.constant 0 : i32
    %cond3A_9 = arith.cmpi ne, %convert_element_type3A_7, %cond3A_8 : i32
    scf.if %cond3A_9 {
      "tpu.region"() ({
        %run_scoped3A = tpu.sem_alloc : memref<!tpu.dma_semaphore, #tpu.memory_space<semaphore_mem>>
        %dma_start3A_62 = arith.constant 0 : i32
        %dma_start3A_63 = arith.constant 0 : i32
        %dma_start3A_64 = tpu.memref_slice %arg3[%arg1, %dma_start3A_62, %dma_start3A_63] : memref<16x64x4xi32, #tpu.memory_space<hbm>> -> memref<1x64x4xi32, #tpu.memory_space<hbm>>
        %dma_start3A_65 = tpu.memref_squeeze %dma_start3A_64 : memref<1x64x4xi32, #tpu.memory_space<hbm>> -> memref<64x4xi32, #tpu.memory_space<hbm>>
        %dma_start3A_66 = arith.constant 0 : i32
        %dma_start3A_67 = arith.constant 0 : i32
        %dma_start3A_68 = tpu.memref_slice %arg3[%arg1, %dma_start3A_66, %dma_start3A_67] : memref<16x64x4xi32, #tpu.memory_space<hbm>> -> memref<1x64x4xi32, #tpu.memory_space<hbm>>
        %dma_start3A_69 = tpu.memref_squeeze %dma_start3A_68 : memref<1x64x4xi32, #tpu.memory_space<hbm>> -> memref<64x4xi32, #tpu.memory_space<hbm>>
        tpu.enqueue_dma source(%dma_start3A_69 : memref<64x4xi32, #tpu.memory_space<hbm>>) target(%arg6 : memref<64x4xi32, #tpu.memory_space<vmem>>) target_semaphore(%run_scoped3A : memref<!tpu.dma_semaphore, #tpu.memory_space<semaphore_mem>>)
        %dma_wait3A = arith.constant 0 : i32
        %dma_wait3A_70 = arith.constant 0 : i32
        %dma_wait3A_71 = tpu.memref_slice %arg3[%arg1, %dma_wait3A, %dma_wait3A_70] : memref<16x64x4xi32, #tpu.memory_space<hbm>> -> memref<1x64x4xi32, #tpu.memory_space<hbm>>
        %dma_wait3A_72 = tpu.memref_squeeze %dma_wait3A_71 : memref<1x64x4xi32, #tpu.memory_space<hbm>> -> memref<64x4xi32, #tpu.memory_space<hbm>>
        %dma_wait3A_73 = arith.constant 0 : i32
        %dma_wait3A_74 = arith.constant 0 : i32
        %dma_wait3A_75 = tpu.memref_slice %arg3[%arg1, %dma_wait3A_73, %dma_wait3A_74] : memref<16x64x4xi32, #tpu.memory_space<hbm>> -> memref<1x64x4xi32, #tpu.memory_space<hbm>>
        %dma_wait3A_76 = tpu.memref_squeeze %dma_wait3A_75 : memref<1x64x4xi32, #tpu.memory_space<hbm>> -> memref<64x4xi32, #tpu.memory_space<hbm>>
        tpu.wait_dma2 semaphore(%run_scoped3A : memref<!tpu.dma_semaphore, #tpu.memory_space<semaphore_mem>>) src(%dma_wait3A_76 : memref<64x4xi32, #tpu.memory_space<hbm>>) dst(%arg6 : memref<64x4xi32, #tpu.memory_space<vmem>>)
        tpu.yield
      }) : () -> ()
    } else {
    }
    %dma_start3A = arith.constant 0 : i32
    %dma_start3A_10 = arith.constant 0 : i32
    %dma_start3A_11 = arith.constant 0 : i32
    %dma_start3A_12 = arith.constant 0 : i32
    %dma_start3A_13 = tpu.memref_slice %arg7[%dma_start3A_10, %dma_start3A_11, %dma_start3A_12] : memref<4x4x4096xf32, #tpu.memory_space<vmem>> -> memref<1x4x4096xf32, #tpu.memory_space<vmem>>
    %dma_start3A_14 = tpu.memref_squeeze %dma_start3A_13 : memref<1x4x4096xf32, #tpu.memory_space<vmem>> -> memref<4x4096xf32, #tpu.memory_space<vmem>>
    %dma_start3A_15 = arith.constant 0 : i32
    %dma_start3A_16 = tpu.memref_slice %arg6[%dma_start3A, %dma_start3A_15] : memref<64x4xi32, #tpu.memory_space<vmem>> -> memref<1x4xi32, #tpu.memory_space<vmem>>
    %dma_start3A_17 = tpu.memref_squeeze %dma_start3A_16 : memref<1x4xi32, #tpu.memory_space<vmem>> -> memref<4xi32, #tpu.memory_space<vmem>>
    %dma_start3A_18 = arith.constant 0 : i32
    %dma_start3A_19 = arith.constant 0 : i32
    %dma_start3A_20 = tpu.memref_slice %arg4[%dma_start3A_18, %dma_start3A_19] : memref<50400x4096xf32, #tpu.memory_space<hbm>> -> memref<50400x4096xf32, #tpu.memory_space<hbm>>
    tpu.enqueue_indirect_dma source(%dma_start3A_20 : memref<50400x4096xf32, #tpu.memory_space<hbm>>) target(%dma_start3A_14 : memref<4x4096xf32, #tpu.memory_space<vmem>>) offsets(%dma_start3A_17 : memref<4xi32, #tpu.memory_space<vmem>>) semaphore(%arg8 : memref<!tpu.dma_semaphore, #tpu.memory_space<semaphore_mem>>)
    %dma_start3A_21 = arith.constant 1 : i32
    %dma_start3A_22 = arith.constant 1 : i32
    %dma_start3A_23 = arith.constant 0 : i32
    %dma_start3A_24 = arith.constant 0 : i32
    %dma_start3A_25 = tpu.memref_slice %arg7[%dma_start3A_22, %dma_start3A_23, %dma_start3A_24] : memref<4x4x4096xf32, #tpu.memory_space<vmem>> -> memref<1x4x4096xf32, #tpu.memory_space<vmem>>
    %dma_start3A_26 = tpu.memref_squeeze %dma_start3A_25 : memref<1x4x4096xf32, #tpu.memory_space<vmem>> -> memref<4x4096xf32, #tpu.memory_space<vmem>>
    %dma_start3A_27 = arith.constant 0 : i32
    %dma_start3A_28 = tpu.memref_slice %arg6[%dma_start3A_21, %dma_start3A_27] : memref<64x4xi32, #tpu.memory_space<vmem>> -> memref<1x4xi32, #tpu.memory_space<vmem>>
    %dma_start3A_29 = tpu.memref_squeeze %dma_start3A_28 : memref<1x4xi32, #tpu.memory_space<vmem>> -> memref<4xi32, #tpu.memory_space<vmem>>
    %dma_start3A_30 = arith.constant 0 : i32
    %dma_start3A_31 = arith.constant 0 : i32
    %dma_start3A_32 = tpu.memref_slice %arg4[%dma_start3A_30, %dma_start3A_31] : memref<50400x4096xf32, #tpu.memory_space<hbm>> -> memref<50400x4096xf32, #tpu.memory_space<hbm>>
    tpu.enqueue_indirect_dma source(%dma_start3A_32 : memref<50400x4096xf32, #tpu.memory_space<hbm>>) target(%dma_start3A_26 : memref<4x4096xf32, #tpu.memory_space<vmem>>) offsets(%dma_start3A_29 : memref<4xi32, #tpu.memory_space<vmem>>) semaphore(%arg9 : memref<!tpu.dma_semaphore, #tpu.memory_space<semaphore_mem>>)
    %dma_start3A_33 = arith.constant 2 : i32
    %dma_start3A_34 = arith.constant 2 : i32
    %dma_start3A_35 = arith.constant 0 : i32
    %dma_start3A_36 = arith.constant 0 : i32
    %dma_start3A_37 = tpu.memref_slice %arg7[%dma_start3A_34, %dma_start3A_35, %dma_start3A_36] : memref<4x4x4096xf32, #tpu.memory_space<vmem>> -> memref<1x4x4096xf32, #tpu.memory_space<vmem>>
    %dma_start3A_38 = tpu.memref_squeeze %dma_start3A_37 : memref<1x4x4096xf32, #tpu.memory_space<vmem>> -> memref<4x4096xf32, #tpu.memory_space<vmem>>
    %dma_start3A_39 = arith.constant 0 : i32
    %dma_start3A_40 = tpu.memref_slice %arg6[%dma_start3A_33, %dma_start3A_39] : memref<64x4xi32, #tpu.memory_space<vmem>> -> memref<1x4xi32, #tpu.memory_space<vmem>>
    %dma_start3A_41 = tpu.memref_squeeze %dma_start3A_40 : memref<1x4xi32, #tpu.memory_space<vmem>> -> memref<4xi32, #tpu.memory_space<vmem>>
    %dma_start3A_42 = arith.constant 0 : i32
    %dma_start3A_43 = arith.constant 0 : i32
    %dma_start3A_44 = tpu.memref_slice %arg4[%dma_start3A_42, %dma_start3A_43] : memref<50400x4096xf32, #tpu.memory_space<hbm>> -> memref<50400x4096xf32, #tpu.memory_space<hbm>>
    tpu.enqueue_indirect_dma source(%dma_start3A_44 : memref<50400x4096xf32, #tpu.memory_space<hbm>>) target(%dma_start3A_38 : memref<4x4096xf32, #tpu.memory_space<vmem>>) offsets(%dma_start3A_41 : memref<4xi32, #tpu.memory_space<vmem>>) semaphore(%arg10 : memref<!tpu.dma_semaphore, #tpu.memory_space<semaphore_mem>>)
    %dma_start3A_45 = arith.constant 3 : i32
    %dma_start3A_46 = arith.constant 3 : i32
    %dma_start3A_47 = arith.constant 0 : i32
    %dma_start3A_48 = arith.constant 0 : i32
    %dma_start3A_49 = tpu.memref_slice %arg7[%dma_start3A_46, %dma_start3A_47, %dma_start3A_48] : memref<4x4x4096xf32, #tpu.memory_space<vmem>> -> memref<1x4x4096xf32, #tpu.memory_space<vmem>>
    %dma_start3A_50 = tpu.memref_squeeze %dma_start3A_49 : memref<1x4x4096xf32, #tpu.memory_space<vmem>> -> memref<4x4096xf32, #tpu.memory_space<vmem>>
    %dma_start3A_51 = arith.constant 0 : i32
    %dma_start3A_52 = tpu.memref_slice %arg6[%dma_start3A_45, %dma_start3A_51] : memref<64x4xi32, #tpu.memory_space<vmem>> -> memref<1x4xi32, #tpu.memory_space<vmem>>
    %dma_start3A_53 = tpu.memref_squeeze %dma_start3A_52 : memref<1x4xi32, #tpu.memory_space<vmem>> -> memref<4xi32, #tpu.memory_space<vmem>>
    %dma_start3A_54 = arith.constant 0 : i32
    %dma_start3A_55 = arith.constant 0 : i32
    %dma_start3A_56 = tpu.memref_slice %arg4[%dma_start3A_54, %dma_start3A_55] : memref<50400x4096xf32, #tpu.memory_space<hbm>> -> memref<50400x4096xf32, #tpu.memory_space<hbm>>
    tpu.enqueue_indirect_dma source(%dma_start3A_56 : memref<50400x4096xf32, #tpu.memory_space<hbm>>) target(%dma_start3A_50 : memref<4x4096xf32, #tpu.memory_space<vmem>>) offsets(%dma_start3A_53 : memref<4xi32, #tpu.memory_space<vmem>>) semaphore(%arg11 : memref<!tpu.dma_semaphore, #tpu.memory_space<semaphore_mem>>)
    %scan3A = arith.constant 0 : i32
    %scan3A_57 = arith.constant 0 : i32
    %scan3A_58 = arith.constant 16 : i32
    %scan3A_59 = arith.addi %scan3A_57, %scan3A_58 : i32
    %scan3A_60 = arith.constant 1 : i32
    scf.for %scan3A_62 = %scan3A_57 to %scan3A_59 step %scan3A_60  : i32 {
      %mul3A_63 = arith.constant 4 : i32
      %mul3A_64 = arith.muli %scan3A_62, %mul3A_63 : i32
      %add3A_65 = arith.constant 0 : i32
      %add3A_66 = arith.addi %mul3A_64, %add3A_65 : i32
      %dma_wait3A = arith.constant 0 : i32
      %dma_wait3A_67 = arith.constant 0 : i32
      %dma_wait3A_68 = arith.constant 0 : i32
      %dma_wait3A_69 = tpu.memref_slice %arg7[%dma_wait3A, %dma_wait3A_67, %dma_wait3A_68] : memref<4x4x4096xf32, #tpu.memory_space<vmem>> -> memref<1x4x4096xf32, #tpu.memory_space<vmem>>
      %dma_wait3A_70 = tpu.memref_squeeze %dma_wait3A_69 : memref<1x4x4096xf32, #tpu.memory_space<vmem>> -> memref<4x4096xf32, #tpu.memory_space<vmem>>
      %dma_wait3A_71 = arith.constant 0 : i32
      %dma_wait3A_72 = tpu.memref_slice %arg6[%add3A_66, %dma_wait3A_71] : memref<64x4xi32, #tpu.memory_space<vmem>> -> memref<1x4xi32, #tpu.memory_space<vmem>>
      %dma_wait3A_73 = tpu.memref_squeeze %dma_wait3A_72 : memref<1x4xi32, #tpu.memory_space<vmem>> -> memref<4xi32, #tpu.memory_space<vmem>>
      %dma_wait3A_74 = arith.constant 0 : i32
      %dma_wait3A_75 = arith.constant 0 : i32
      %dma_wait3A_76 = tpu.memref_slice %arg4[%dma_wait3A_74, %dma_wait3A_75] : memref<50400x4096xf32, #tpu.memory_space<hbm>> -> memref<50400x4096xf32, #tpu.memory_space<hbm>>
      tpu.wait_indirect_dma semaphore(%arg8 : memref<!tpu.dma_semaphore, #tpu.memory_space<semaphore_mem>>) src(%dma_wait3A_76 : memref<50400x4096xf32, #tpu.memory_space<hbm>>) dst(%dma_wait3A_70 : memref<4x4096xf32, #tpu.memory_space<vmem>>)
      %mul3A_77 = arith.constant 4 : i32
      %mul3A_78 = arith.muli %add3A_66, %mul3A_77 : i32
      %add3A_79 = arith.addi %mul3A_2, %mul3A_78 : i32
      %dma_start3A_80 = arith.constant 0 : i32
      %dma_start3A_81 = arith.constant 0 : i32
      %dma_start3A_82 = arith.constant 0 : i32
      %dma_start3A_83 = tpu.memref_slice %arg7[%dma_start3A_80, %dma_start3A_81, %dma_start3A_82] : memref<4x4x4096xf32, #tpu.memory_space<vmem>> -> memref<1x4x4096xf32, #tpu.memory_space<vmem>>
      %dma_start3A_84 = tpu.memref_squeeze %dma_start3A_83 : memref<1x4x4096xf32, #tpu.memory_space<vmem>> -> memref<4x4096xf32, #tpu.memory_space<vmem>>
      %dma_start3A_85 = arith.constant 0 : i32
      %dma_start3A_86 = tpu.memref_slice %arg5[%add3A_79, %dma_start3A_85] : memref<8192x4096xf32, #tpu.memory_space<hbm>> -> memref<4x4096xf32, #tpu.memory_space<hbm>>
      %dma_start3A_87 = arith.constant 0 : i32
      %dma_start3A_88 = tpu.memref_slice %arg5[%add3A_79, %dma_start3A_87] : memref<8192x4096xf32, #tpu.memory_space<hbm>> -> memref<4x4096xf32, #tpu.memory_space<hbm>>
      %dma_start3A_89 = arith.constant 0 : i32
      %dma_start3A_90 = arith.constant 0 : i32
      %dma_start3A_91 = tpu.memref_slice %arg7[%dma_start3A_80, %dma_start3A_89, %dma_start3A_90] : memref<4x4x4096xf32, #tpu.memory_space<vmem>> -> memref<1x4x4096xf32, #tpu.memory_space<vmem>>
      %dma_start3A_92 = tpu.memref_squeeze %dma_start3A_91 : memref<1x4x4096xf32, #tpu.memory_space<vmem>> -> memref<4x4096xf32, #tpu.memory_space<vmem>>
      tpu.enqueue_dma source(%dma_start3A_92 : memref<4x4096xf32, #tpu.memory_space<vmem>>) target(%dma_start3A_88 : memref<4x4096xf32, #tpu.memory_space<hbm>>) target_semaphore(%arg12 : memref<!tpu.dma_semaphore, #tpu.memory_space<semaphore_mem>>)
      %mul3A_93 = arith.constant 4 : i32
      %mul3A_94 = arith.muli %scan3A_62, %mul3A_93 : i32
      %add3A_95 = arith.constant 1 : i32
      %add3A_96 = arith.addi %mul3A_94, %add3A_95 : i32
      %dma_wait3A_97 = arith.constant 1 : i32
      %dma_wait3A_98 = arith.constant 0 : i32
      %dma_wait3A_99 = arith.constant 0 : i32
      %dma_wait3A_100 = tpu.memref_slice %arg7[%dma_wait3A_97, %dma_wait3A_98, %dma_wait3A_99] : memref<4x4x4096xf32, #tpu.memory_space<vmem>> -> memref<1x4x4096xf32, #tpu.memory_space<vmem>>
      %dma_wait3A_101 = tpu.memref_squeeze %dma_wait3A_100 : memref<1x4x4096xf32, #tpu.memory_space<vmem>> -> memref<4x4096xf32, #tpu.memory_space<vmem>>
      %dma_wait3A_102 = arith.constant 0 : i32
      %dma_wait3A_103 = tpu.memref_slice %arg6[%add3A_96, %dma_wait3A_102] : memref<64x4xi32, #tpu.memory_space<vmem>> -> memref<1x4xi32, #tpu.memory_space<vmem>>
      %dma_wait3A_104 = tpu.memref_squeeze %dma_wait3A_103 : memref<1x4xi32, #tpu.memory_space<vmem>> -> memref<4xi32, #tpu.memory_space<vmem>>
      %dma_wait3A_105 = arith.constant 0 : i32
      %dma_wait3A_106 = arith.constant 0 : i32
      %dma_wait3A_107 = tpu.memref_slice %arg4[%dma_wait3A_105, %dma_wait3A_106] : memref<50400x4096xf32, #tpu.memory_space<hbm>> -> memref<50400x4096xf32, #tpu.memory_space<hbm>>
      tpu.wait_indirect_dma semaphore(%arg9 : memref<!tpu.dma_semaphore, #tpu.memory_space<semaphore_mem>>) src(%dma_wait3A_107 : memref<50400x4096xf32, #tpu.memory_space<hbm>>) dst(%dma_wait3A_101 : memref<4x4096xf32, #tpu.memory_space<vmem>>)
      %mul3A_108 = arith.constant 4 : i32
      %mul3A_109 = arith.muli %add3A_96, %mul3A_108 : i32
      %add3A_110 = arith.addi %mul3A_2, %mul3A_109 : i32
      %dma_start3A_111 = arith.constant 1 : i32
      %dma_start3A_112 = arith.constant 0 : i32
      %dma_start3A_113 = arith.constant 0 : i32
      %dma_start3A_114 = tpu.memref_slice %arg7[%dma_start3A_111, %dma_start3A_112, %dma_start3A_113] : memref<4x4x4096xf32, #tpu.memory_space<vmem>> -> memref<1x4x4096xf32, #tpu.memory_space<vmem>>
      %dma_start3A_115 = tpu.memref_squeeze %dma_start3A_114 : memref<1x4x4096xf32, #tpu.memory_space<vmem>> -> memref<4x4096xf32, #tpu.memory_space<vmem>>
      %dma_start3A_116 = arith.constant 0 : i32
      %dma_start3A_117 = tpu.memref_slice %arg5[%add3A_110, %dma_start3A_116] : memref<8192x4096xf32, #tpu.memory_space<hbm>> -> memref<4x4096xf32, #tpu.memory_space<hbm>>
      %dma_start3A_118 = arith.constant 0 : i32
      %dma_start3A_119 = tpu.memref_slice %arg5[%add3A_110, %dma_start3A_118] : memref<8192x4096xf32, #tpu.memory_space<hbm>> -> memref<4x4096xf32, #tpu.memory_space<hbm>>
      %dma_start3A_120 = arith.constant 0 : i32
      %dma_start3A_121 = arith.constant 0 : i32
      %dma_start3A_122 = tpu.memref_slice %arg7[%dma_start3A_111, %dma_start3A_120, %dma_start3A_121] : memref<4x4x4096xf32, #tpu.memory_space<vmem>> -> memref<1x4x4096xf32, #tpu.memory_space<vmem>>
      %dma_start3A_123 = tpu.memref_squeeze %dma_start3A_122 : memref<1x4x4096xf32, #tpu.memory_space<vmem>> -> memref<4x4096xf32, #tpu.memory_space<vmem>>
      tpu.enqueue_dma source(%dma_start3A_123 : memref<4x4096xf32, #tpu.memory_space<vmem>>) target(%dma_start3A_119 : memref<4x4096xf32, #tpu.memory_space<hbm>>) target_semaphore(%arg13 : memref<!tpu.dma_semaphore, #tpu.memory_space<semaphore_mem>>)
      %mul3A_124 = arith.constant 4 : i32
      %mul3A_125 = arith.muli %scan3A_62, %mul3A_124 : i32
      %add3A_126 = arith.constant 2 : i32
      %add3A_127 = arith.addi %mul3A_125, %add3A_126 : i32
      %dma_wait3A_128 = arith.constant 2 : i32
      %dma_wait3A_129 = arith.constant 0 : i32
      %dma_wait3A_130 = arith.constant 0 : i32
      %dma_wait3A_131 = tpu.memref_slice %arg7[%dma_wait3A_128, %dma_wait3A_129, %dma_wait3A_130] : memref<4x4x4096xf32, #tpu.memory_space<vmem>> -> memref<1x4x4096xf32, #tpu.memory_space<vmem>>
      %dma_wait3A_132 = tpu.memref_squeeze %dma_wait3A_131 : memref<1x4x4096xf32, #tpu.memory_space<vmem>> -> memref<4x4096xf32, #tpu.memory_space<vmem>>
      %dma_wait3A_133 = arith.constant 0 : i32
      %dma_wait3A_134 = tpu.memref_slice %arg6[%add3A_127, %dma_wait3A_133] : memref<64x4xi32, #tpu.memory_space<vmem>> -> memref<1x4xi32, #tpu.memory_space<vmem>>
      %dma_wait3A_135 = tpu.memref_squeeze %dma_wait3A_134 : memref<1x4xi32, #tpu.memory_space<vmem>> -> memref<4xi32, #tpu.memory_space<vmem>>
      %dma_wait3A_136 = arith.constant 0 : i32
      %dma_wait3A_137 = arith.constant 0 : i32
      %dma_wait3A_138 = tpu.memref_slice %arg4[%dma_wait3A_136, %dma_wait3A_137] : memref<50400x4096xf32, #tpu.memory_space<hbm>> -> memref<50400x4096xf32, #tpu.memory_space<hbm>>
      tpu.wait_indirect_dma semaphore(%arg10 : memref<!tpu.dma_semaphore, #tpu.memory_space<semaphore_mem>>) src(%dma_wait3A_138 : memref<50400x4096xf32, #tpu.memory_space<hbm>>) dst(%dma_wait3A_132 : memref<4x4096xf32, #tpu.memory_space<vmem>>)
      %mul3A_139 = arith.constant 4 : i32
      %mul3A_140 = arith.muli %add3A_127, %mul3A_139 : i32
      %add3A_141 = arith.addi %mul3A_2, %mul3A_140 : i32
      %dma_start3A_142 = arith.constant 2 : i32
      %dma_start3A_143 = arith.constant 0 : i32
      %dma_start3A_144 = arith.constant 0 : i32
      %dma_start3A_145 = tpu.memref_slice %arg7[%dma_start3A_142, %dma_start3A_143, %dma_start3A_144] : memref<4x4x4096xf32, #tpu.memory_space<vmem>> -> memref<1x4x4096xf32, #tpu.memory_space<vmem>>
      %dma_start3A_146 = tpu.memref_squeeze %dma_start3A_145 : memref<1x4x4096xf32, #tpu.memory_space<vmem>> -> memref<4x4096xf32, #tpu.memory_space<vmem>>
      %dma_start3A_147 = arith.constant 0 : i32
      %dma_start3A_148 = tpu.memref_slice %arg5[%add3A_141, %dma_start3A_147] : memref<8192x4096xf32, #tpu.memory_space<hbm>> -> memref<4x4096xf32, #tpu.memory_space<hbm>>
      %dma_start3A_149 = arith.constant 0 : i32
      %dma_start3A_150 = tpu.memref_slice %arg5[%add3A_141, %dma_start3A_149] : memref<8192x4096xf32, #tpu.memory_space<hbm>> -> memref<4x4096xf32, #tpu.memory_space<hbm>>
      %dma_start3A_151 = arith.constant 0 : i32
      %dma_start3A_152 = arith.constant 0 : i32
      %dma_start3A_153 = tpu.memref_slice %arg7[%dma_start3A_142, %dma_start3A_151, %dma_start3A_152] : memref<4x4x4096xf32, #tpu.memory_space<vmem>> -> memref<1x4x4096xf32, #tpu.memory_space<vmem>>
      %dma_start3A_154 = tpu.memref_squeeze %dma_start3A_153 : memref<1x4x4096xf32, #tpu.memory_space<vmem>> -> memref<4x4096xf32, #tpu.memory_space<vmem>>
      tpu.enqueue_dma source(%dma_start3A_154 : memref<4x4096xf32, #tpu.memory_space<vmem>>) target(%dma_start3A_150 : memref<4x4096xf32, #tpu.memory_space<hbm>>) target_semaphore(%arg14 : memref<!tpu.dma_semaphore, #tpu.memory_space<semaphore_mem>>)
      %mul3A_155 = arith.constant 4 : i32
      %mul3A_156 = arith.muli %scan3A_62, %mul3A_155 : i32
      %add3A_157 = arith.constant 3 : i32
      %add3A_158 = arith.addi %mul3A_156, %add3A_157 : i32
      %dma_wait3A_159 = arith.constant 3 : i32
      %dma_wait3A_160 = arith.constant 0 : i32
      %dma_wait3A_161 = arith.constant 0 : i32
      %dma_wait3A_162 = tpu.memref_slice %arg7[%dma_wait3A_159, %dma_wait3A_160, %dma_wait3A_161] : memref<4x4x4096xf32, #tpu.memory_space<vmem>> -> memref<1x4x4096xf32, #tpu.memory_space<vmem>>
      %dma_wait3A_163 = tpu.memref_squeeze %dma_wait3A_162 : memref<1x4x4096xf32, #tpu.memory_space<vmem>> -> memref<4x4096xf32, #tpu.memory_space<vmem>>
      %dma_wait3A_164 = arith.constant 0 : i32
      %dma_wait3A_165 = tpu.memref_slice %arg6[%add3A_158, %dma_wait3A_164] : memref<64x4xi32, #tpu.memory_space<vmem>> -> memref<1x4xi32, #tpu.memory_space<vmem>>
      %dma_wait3A_166 = tpu.memref_squeeze %dma_wait3A_165 : memref<1x4xi32, #tpu.memory_space<vmem>> -> memref<4xi32, #tpu.memory_space<vmem>>
      %dma_wait3A_167 = arith.constant 0 : i32
      %dma_wait3A_168 = arith.constant 0 : i32
      %dma_wait3A_169 = tpu.memref_slice %arg4[%dma_wait3A_167, %dma_wait3A_168] : memref<50400x4096xf32, #tpu.memory_space<hbm>> -> memref<50400x4096xf32, #tpu.memory_space<hbm>>
      tpu.wait_indirect_dma semaphore(%arg11 : memref<!tpu.dma_semaphore, #tpu.memory_space<semaphore_mem>>) src(%dma_wait3A_169 : memref<50400x4096xf32, #tpu.memory_space<hbm>>) dst(%dma_wait3A_163 : memref<4x4096xf32, #tpu.memory_space<vmem>>)
      %mul3A_170 = arith.constant 4 : i32
      %mul3A_171 = arith.muli %add3A_158, %mul3A_170 : i32
      %add3A_172 = arith.addi %mul3A_2, %mul3A_171 : i32
      %dma_start3A_173 = arith.constant 3 : i32
      %dma_start3A_174 = arith.constant 0 : i32
      %dma_start3A_175 = arith.constant 0 : i32
      %dma_start3A_176 = tpu.memref_slice %arg7[%dma_start3A_173, %dma_start3A_174, %dma_start3A_175] : memref<4x4x4096xf32, #tpu.memory_space<vmem>> -> memref<1x4x4096xf32, #tpu.memory_space<vmem>>
      %dma_start3A_177 = tpu.memref_squeeze %dma_start3A_176 : memref<1x4x4096xf32, #tpu.memory_space<vmem>> -> memref<4x4096xf32, #tpu.memory_space<vmem>>
      %dma_start3A_178 = arith.constant 0 : i32
      %dma_start3A_179 = tpu.memref_slice %arg5[%add3A_172, %dma_start3A_178] : memref<8192x4096xf32, #tpu.memory_space<hbm>> -> memref<4x4096xf32, #tpu.memory_space<hbm>>
      %dma_start3A_180 = arith.constant 0 : i32
      %dma_start3A_181 = tpu.memref_slice %arg5[%add3A_172, %dma_start3A_180] : memref<8192x4096xf32, #tpu.memory_space<hbm>> -> memref<4x4096xf32, #tpu.memory_space<hbm>>
      %dma_start3A_182 = arith.constant 0 : i32
      %dma_start3A_183 = arith.constant 0 : i32
      %dma_start3A_184 = tpu.memref_slice %arg7[%dma_start3A_173, %dma_start3A_182, %dma_start3A_183] : memref<4x4x4096xf32, #tpu.memory_space<vmem>> -> memref<1x4x4096xf32, #tpu.memory_space<vmem>>
      %dma_start3A_185 = tpu.memref_squeeze %dma_start3A_184 : memref<1x4x4096xf32, #tpu.memory_space<vmem>> -> memref<4x4096xf32, #tpu.memory_space<vmem>>
      tpu.enqueue_dma source(%dma_start3A_185 : memref<4x4096xf32, #tpu.memory_space<vmem>>) target(%dma_start3A_181 : memref<4x4096xf32, #tpu.memory_space<hbm>>) target_semaphore(%arg15 : memref<!tpu.dma_semaphore, #tpu.memory_space<semaphore_mem>>)
      %mul3A_186 = arith.constant 4 : i32
      %mul3A_187 = arith.muli %scan3A_62, %mul3A_186 : i32
      %add3A_188 = arith.constant 0 : i32
      %add3A_189 = arith.addi %mul3A_187, %add3A_188 : i32
      %mul3A_190 = arith.constant 4 : i32
      %mul3A_191 = arith.muli %add3A_189, %mul3A_190 : i32
      %add3A_192 = arith.addi %mul3A_2, %mul3A_191 : i32
      %dma_wait3A_193 = arith.constant 0 : i32
      %dma_wait3A_194 = arith.constant 0 : i32
      %dma_wait3A_195 = arith.constant 0 : i32
      %dma_wait3A_196 = tpu.memref_slice %arg7[%dma_wait3A_193, %dma_wait3A_194, %dma_wait3A_195] : memref<4x4x4096xf32, #tpu.memory_space<vmem>> -> memref<1x4x4096xf32, #tpu.memory_space<vmem>>
      %dma_wait3A_197 = tpu.memref_squeeze %dma_wait3A_196 : memref<1x4x4096xf32, #tpu.memory_space<vmem>> -> memref<4x4096xf32, #tpu.memory_space<vmem>>
      %dma_wait3A_198 = arith.constant 0 : i32
      %dma_wait3A_199 = tpu.memref_slice %arg5[%add3A_192, %dma_wait3A_198] : memref<8192x4096xf32, #tpu.memory_space<hbm>> -> memref<4x4096xf32, #tpu.memory_space<hbm>>
      %dma_wait3A_200 = arith.constant 0 : i32
      %dma_wait3A_201 = tpu.memref_slice %arg5[%add3A_192, %dma_wait3A_200] : memref<8192x4096xf32, #tpu.memory_space<hbm>> -> memref<4x4096xf32, #tpu.memory_space<hbm>>
      %dma_wait3A_202 = arith.constant 0 : i32
      %dma_wait3A_203 = arith.constant 0 : i32
      %dma_wait3A_204 = tpu.memref_slice %arg7[%dma_wait3A_193, %dma_wait3A_202, %dma_wait3A_203] : memref<4x4x4096xf32, #tpu.memory_space<vmem>> -> memref<1x4x4096xf32, #tpu.memory_space<vmem>>
      %dma_wait3A_205 = tpu.memref_squeeze %dma_wait3A_204 : memref<1x4x4096xf32, #tpu.memory_space<vmem>> -> memref<4x4096xf32, #tpu.memory_space<vmem>>
      tpu.wait_dma2 semaphore(%arg12 : memref<!tpu.dma_semaphore, #tpu.memory_space<semaphore_mem>>) src(%dma_wait3A_205 : memref<4x4096xf32, #tpu.memory_space<vmem>>) dst(%dma_wait3A_201 : memref<4x4096xf32, #tpu.memory_space<hbm>>)
      %add3A_206 = arith.constant 4 : i32
      %add3A_207 = arith.addi %add3A_189, %add3A_206 : i32
      %lt3A = arith.constant 64 : i32
      %lt3A_208 = arith.cmpi slt, %add3A_207, %lt3A : i32
      %convert_element_type3A_209 = arith.extui %lt3A_208 : i1 to i32
      %cond3A_210 = arith.constant 0 : i32
      %cond3A_211 = arith.cmpi ne, %convert_element_type3A_209, %cond3A_210 : i32
      scf.if %cond3A_211 {
        %add3A_293 = arith.constant 4 : i32
        %add3A_294 = arith.addi %add3A_189, %add3A_293 : i32
        %dma_start3A_295 = arith.constant 0 : i32
        %dma_start3A_296 = arith.constant 0 : i32
        %dma_start3A_297 = arith.constant 0 : i32
        %dma_start3A_298 = tpu.memref_slice %arg7[%dma_start3A_295, %dma_start3A_296, %dma_start3A_297] : memref<4x4x4096xf32, #tpu.memory_space<vmem>> -> memref<1x4x4096xf32, #tpu.memory_space<vmem>>
        %dma_start3A_299 = tpu.memref_squeeze %dma_start3A_298 : memref<1x4x4096xf32, #tpu.memory_space<vmem>> -> memref<4x4096xf32, #tpu.memory_space<vmem>>
        %dma_start3A_300 = arith.constant 0 : i32
        %dma_start3A_301 = tpu.memref_slice %arg6[%add3A_294, %dma_start3A_300] : memref<64x4xi32, #tpu.memory_space<vmem>> -> memref<1x4xi32, #tpu.memory_space<vmem>>
        %dma_start3A_302 = tpu.memref_squeeze %dma_start3A_301 : memref<1x4xi32, #tpu.memory_space<vmem>> -> memref<4xi32, #tpu.memory_space<vmem>>
        %dma_start3A_303 = arith.constant 0 : i32
        %dma_start3A_304 = arith.constant 0 : i32
        %dma_start3A_305 = tpu.memref_slice %arg4[%dma_start3A_303, %dma_start3A_304] : memref<50400x4096xf32, #tpu.memory_space<hbm>> -> memref<50400x4096xf32, #tpu.memory_space<hbm>>
        tpu.enqueue_indirect_dma source(%dma_start3A_305 : memref<50400x4096xf32, #tpu.memory_space<hbm>>) target(%dma_start3A_299 : memref<4x4096xf32, #tpu.memory_space<vmem>>) offsets(%dma_start3A_302 : memref<4xi32, #tpu.memory_space<vmem>>) semaphore(%arg8 : memref<!tpu.dma_semaphore, #tpu.memory_space<semaphore_mem>>)
      } else {
      }
      %mul3A_212 = arith.constant 4 : i32
      %mul3A_213 = arith.muli %scan3A_62, %mul3A_212 : i32
      %add3A_214 = arith.constant 1 : i32
      %add3A_215 = arith.addi %mul3A_213, %add3A_214 : i32
      %mul3A_216 = arith.constant 4 : i32
      %mul3A_217 = arith.muli %add3A_215, %mul3A_216 : i32
      %add3A_218 = arith.addi %mul3A_2, %mul3A_217 : i32
      %dma_wait3A_219 = arith.constant 1 : i32
      %dma_wait3A_220 = arith.constant 0 : i32
      %dma_wait3A_221 = arith.constant 0 : i32
      %dma_wait3A_222 = tpu.memref_slice %arg7[%dma_wait3A_219, %dma_wait3A_220, %dma_wait3A_221] : memref<4x4x4096xf32, #tpu.memory_space<vmem>> -> memref<1x4x4096xf32, #tpu.memory_space<vmem>>
      %dma_wait3A_223 = tpu.memref_squeeze %dma_wait3A_222 : memref<1x4x4096xf32, #tpu.memory_space<vmem>> -> memref<4x4096xf32, #tpu.memory_space<vmem>>
      %dma_wait3A_224 = arith.constant 0 : i32
      %dma_wait3A_225 = tpu.memref_slice %arg5[%add3A_218, %dma_wait3A_224] : memref<8192x4096xf32, #tpu.memory_space<hbm>> -> memref<4x4096xf32, #tpu.memory_space<hbm>>
      %dma_wait3A_226 = arith.constant 0 : i32
      %dma_wait3A_227 = tpu.memref_slice %arg5[%add3A_218, %dma_wait3A_226] : memref<8192x4096xf32, #tpu.memory_space<hbm>> -> memref<4x4096xf32, #tpu.memory_space<hbm>>
      %dma_wait3A_228 = arith.constant 0 : i32
      %dma_wait3A_229 = arith.constant 0 : i32
      %dma_wait3A_230 = tpu.memref_slice %arg7[%dma_wait3A_219, %dma_wait3A_228, %dma_wait3A_229] : memref<4x4x4096xf32, #tpu.memory_space<vmem>> -> memref<1x4x4096xf32, #tpu.memory_space<vmem>>
      %dma_wait3A_231 = tpu.memref_squeeze %dma_wait3A_230 : memref<1x4x4096xf32, #tpu.memory_space<vmem>> -> memref<4x4096xf32, #tpu.memory_space<vmem>>
      tpu.wait_dma2 semaphore(%arg13 : memref<!tpu.dma_semaphore, #tpu.memory_space<semaphore_mem>>) src(%dma_wait3A_231 : memref<4x4096xf32, #tpu.memory_space<vmem>>) dst(%dma_wait3A_227 : memref<4x4096xf32, #tpu.memory_space<hbm>>)
      %add3A_232 = arith.constant 4 : i32
      %add3A_233 = arith.addi %add3A_215, %add3A_232 : i32
      %lt3A_234 = arith.constant 64 : i32
      %lt3A_235 = arith.cmpi slt, %add3A_233, %lt3A_234 : i32
      %convert_element_type3A_236 = arith.extui %lt3A_235 : i1 to i32
      %cond3A_237 = arith.constant 0 : i32
      %cond3A_238 = arith.cmpi ne, %convert_element_type3A_236, %cond3A_237 : i32
      scf.if %cond3A_238 {
        %add3A_293 = arith.constant 4 : i32
        %add3A_294 = arith.addi %add3A_215, %add3A_293 : i32
        %dma_start3A_295 = arith.constant 1 : i32
        %dma_start3A_296 = arith.constant 0 : i32
        %dma_start3A_297 = arith.constant 0 : i32
        %dma_start3A_298 = tpu.memref_slice %arg7[%dma_start3A_295, %dma_start3A_296, %dma_start3A_297] : memref<4x4x4096xf32, #tpu.memory_space<vmem>> -> memref<1x4x4096xf32, #tpu.memory_space<vmem>>
        %dma_start3A_299 = tpu.memref_squeeze %dma_start3A_298 : memref<1x4x4096xf32, #tpu.memory_space<vmem>> -> memref<4x4096xf32, #tpu.memory_space<vmem>>
        %dma_start3A_300 = arith.constant 0 : i32
        %dma_start3A_301 = tpu.memref_slice %arg6[%add3A_294, %dma_start3A_300] : memref<64x4xi32, #tpu.memory_space<vmem>> -> memref<1x4xi32, #tpu.memory_space<vmem>>
        %dma_start3A_302 = tpu.memref_squeeze %dma_start3A_301 : memref<1x4xi32, #tpu.memory_space<vmem>> -> memref<4xi32, #tpu.memory_space<vmem>>
        %dma_start3A_303 = arith.constant 0 : i32
        %dma_start3A_304 = arith.constant 0 : i32
        %dma_start3A_305 = tpu.memref_slice %arg4[%dma_start3A_303, %dma_start3A_304] : memref<50400x4096xf32, #tpu.memory_space<hbm>> -> memref<50400x4096xf32, #tpu.memory_space<hbm>>
        tpu.enqueue_indirect_dma source(%dma_start3A_305 : memref<50400x4096xf32, #tpu.memory_space<hbm>>) target(%dma_start3A_299 : memref<4x4096xf32, #tpu.memory_space<vmem>>) offsets(%dma_start3A_302 : memref<4xi32, #tpu.memory_space<vmem>>) semaphore(%arg9 : memref<!tpu.dma_semaphore, #tpu.memory_space<semaphore_mem>>)
      } else {
      }
      %mul3A_239 = arith.constant 4 : i32
      %mul3A_240 = arith.muli %scan3A_62, %mul3A_239 : i32
      %add3A_241 = arith.constant 2 : i32
      %add3A_242 = arith.addi %mul3A_240, %add3A_241 : i32
      %mul3A_243 = arith.constant 4 : i32
      %mul3A_244 = arith.muli %add3A_242, %mul3A_243 : i32
      %add3A_245 = arith.addi %mul3A_2, %mul3A_244 : i32
      %dma_wait3A_246 = arith.constant 2 : i32
      %dma_wait3A_247 = arith.constant 0 : i32
      %dma_wait3A_248 = arith.constant 0 : i32
      %dma_wait3A_249 = tpu.memref_slice %arg7[%dma_wait3A_246, %dma_wait3A_247, %dma_wait3A_248] : memref<4x4x4096xf32, #tpu.memory_space<vmem>> -> memref<1x4x4096xf32, #tpu.memory_space<vmem>>
      %dma_wait3A_250 = tpu.memref_squeeze %dma_wait3A_249 : memref<1x4x4096xf32, #tpu.memory_space<vmem>> -> memref<4x4096xf32, #tpu.memory_space<vmem>>
      %dma_wait3A_251 = arith.constant 0 : i32
      %dma_wait3A_252 = tpu.memref_slice %arg5[%add3A_245, %dma_wait3A_251] : memref<8192x4096xf32, #tpu.memory_space<hbm>> -> memref<4x4096xf32, #tpu.memory_space<hbm>>
      %dma_wait3A_253 = arith.constant 0 : i32
      %dma_wait3A_254 = tpu.memref_slice %arg5[%add3A_245, %dma_wait3A_253] : memref<8192x4096xf32, #tpu.memory_space<hbm>> -> memref<4x4096xf32, #tpu.memory_space<hbm>>
      %dma_wait3A_255 = arith.constant 0 : i32
      %dma_wait3A_256 = arith.constant 0 : i32
      %dma_wait3A_257 = tpu.memref_slice %arg7[%dma_wait3A_246, %dma_wait3A_255, %dma_wait3A_256] : memref<4x4x4096xf32, #tpu.memory_space<vmem>> -> memref<1x4x4096xf32, #tpu.memory_space<vmem>>
      %dma_wait3A_258 = tpu.memref_squeeze %dma_wait3A_257 : memref<1x4x4096xf32, #tpu.memory_space<vmem>> -> memref<4x4096xf32, #tpu.memory_space<vmem>>
      tpu.wait_dma2 semaphore(%arg14 : memref<!tpu.dma_semaphore, #tpu.memory_space<semaphore_mem>>) src(%dma_wait3A_258 : memref<4x4096xf32, #tpu.memory_space<vmem>>) dst(%dma_wait3A_254 : memref<4x4096xf32, #tpu.memory_space<hbm>>)
      %add3A_259 = arith.constant 4 : i32
      %add3A_260 = arith.addi %add3A_242, %add3A_259 : i32
      %lt3A_261 = arith.constant 64 : i32
      %lt3A_262 = arith.cmpi slt, %add3A_260, %lt3A_261 : i32
      %convert_element_type3A_263 = arith.extui %lt3A_262 : i1 to i32
      %cond3A_264 = arith.constant 0 : i32
      %cond3A_265 = arith.cmpi ne, %convert_element_type3A_263, %cond3A_264 : i32
      scf.if %cond3A_265 {
        %add3A_293 = arith.constant 4 : i32
        %add3A_294 = arith.addi %add3A_242, %add3A_293 : i32
        %dma_start3A_295 = arith.constant 2 : i32
        %dma_start3A_296 = arith.constant 0 : i32
        %dma_start3A_297 = arith.constant 0 : i32
        %dma_start3A_298 = tpu.memref_slice %arg7[%dma_start3A_295, %dma_start3A_296, %dma_start3A_297] : memref<4x4x4096xf32, #tpu.memory_space<vmem>> -> memref<1x4x4096xf32, #tpu.memory_space<vmem>>
        %dma_start3A_299 = tpu.memref_squeeze %dma_start3A_298 : memref<1x4x4096xf32, #tpu.memory_space<vmem>> -> memref<4x4096xf32, #tpu.memory_space<vmem>>
        %dma_start3A_300 = arith.constant 0 : i32
        %dma_start3A_301 = tpu.memref_slice %arg6[%add3A_294, %dma_start3A_300] : memref<64x4xi32, #tpu.memory_space<vmem>> -> memref<1x4xi32, #tpu.memory_space<vmem>>
        %dma_start3A_302 = tpu.memref_squeeze %dma_start3A_301 : memref<1x4xi32, #tpu.memory_space<vmem>> -> memref<4xi32, #tpu.memory_space<vmem>>
        %dma_start3A_303 = arith.constant 0 : i32
        %dma_start3A_304 = arith.constant 0 : i32
        %dma_start3A_305 = tpu.memref_slice %arg4[%dma_start3A_303, %dma_start3A_304] : memref<50400x4096xf32, #tpu.memory_space<hbm>> -> memref<50400x4096xf32, #tpu.memory_space<hbm>>
        tpu.enqueue_indirect_dma source(%dma_start3A_305 : memref<50400x4096xf32, #tpu.memory_space<hbm>>) target(%dma_start3A_299 : memref<4x4096xf32, #tpu.memory_space<vmem>>) offsets(%dma_start3A_302 : memref<4xi32, #tpu.memory_space<vmem>>) semaphore(%arg10 : memref<!tpu.dma_semaphore, #tpu.memory_space<semaphore_mem>>)
      } else {
      }
      %mul3A_266 = arith.constant 4 : i32
      %mul3A_267 = arith.muli %scan3A_62, %mul3A_266 : i32
      %add3A_268 = arith.constant 3 : i32
      %add3A_269 = arith.addi %mul3A_267, %add3A_268 : i32
      %mul3A_270 = arith.constant 4 : i32
      %mul3A_271 = arith.muli %add3A_269, %mul3A_270 : i32
      %add3A_272 = arith.addi %mul3A_2, %mul3A_271 : i32
      %dma_wait3A_273 = arith.constant 3 : i32
      %dma_wait3A_274 = arith.constant 0 : i32
      %dma_wait3A_275 = arith.constant 0 : i32
      %dma_wait3A_276 = tpu.memref_slice %arg7[%dma_wait3A_273, %dma_wait3A_274, %dma_wait3A_275] : memref<4x4x4096xf32, #tpu.memory_space<vmem>> -> memref<1x4x4096xf32, #tpu.memory_space<vmem>>
      %dma_wait3A_277 = tpu.memref_squeeze %dma_wait3A_276 : memref<1x4x4096xf32, #tpu.memory_space<vmem>> -> memref<4x4096xf32, #tpu.memory_space<vmem>>
      %dma_wait3A_278 = arith.constant 0 : i32
      %dma_wait3A_279 = tpu.memref_slice %arg5[%add3A_272, %dma_wait3A_278] : memref<8192x4096xf32, #tpu.memory_space<hbm>> -> memref<4x4096xf32, #tpu.memory_space<hbm>>
      %dma_wait3A_280 = arith.constant 0 : i32
      %dma_wait3A_281 = tpu.memref_slice %arg5[%add3A_272, %dma_wait3A_280] : memref<8192x4096xf32, #tpu.memory_space<hbm>> -> memref<4x4096xf32, #tpu.memory_space<hbm>>
      %dma_wait3A_282 = arith.constant 0 : i32
      %dma_wait3A_283 = arith.constant 0 : i32
      %dma_wait3A_284 = tpu.memref_slice %arg7[%dma_wait3A_273, %dma_wait3A_282, %dma_wait3A_283] : memref<4x4x4096xf32, #tpu.memory_space<vmem>> -> memref<1x4x4096xf32, #tpu.memory_space<vmem>>
      %dma_wait3A_285 = tpu.memref_squeeze %dma_wait3A_284 : memref<1x4x4096xf32, #tpu.memory_space<vmem>> -> memref<4x4096xf32, #tpu.memory_space<vmem>>
      tpu.wait_dma2 semaphore(%arg15 : memref<!tpu.dma_semaphore, #tpu.memory_space<semaphore_mem>>) src(%dma_wait3A_285 : memref<4x4096xf32, #tpu.memory_space<vmem>>) dst(%dma_wait3A_281 : memref<4x4096xf32, #tpu.memory_space<hbm>>)
      %add3A_286 = arith.constant 4 : i32
      %add3A_287 = arith.addi %add3A_269, %add3A_286 : i32
      %lt3A_288 = arith.constant 64 : i32
      %lt3A_289 = arith.cmpi slt, %add3A_287, %lt3A_288 : i32
      %convert_element_type3A_290 = arith.extui %lt3A_289 : i1 to i32
      %cond3A_291 = arith.constant 0 : i32
      %cond3A_292 = arith.cmpi ne, %convert_element_type3A_290, %cond3A_291 : i32
      scf.if %cond3A_292 {
        %add3A_293 = arith.constant 4 : i32
        %add3A_294 = arith.addi %add3A_269, %add3A_293 : i32
        %dma_start3A_295 = arith.constant 3 : i32
        %dma_start3A_296 = arith.constant 0 : i32
        %dma_start3A_297 = arith.constant 0 : i32
        %dma_start3A_298 = tpu.memref_slice %arg7[%dma_start3A_295, %dma_start3A_296, %dma_start3A_297] : memref<4x4x4096xf32, #tpu.memory_space<vmem>> -> memref<1x4x4096xf32, #tpu.memory_space<vmem>>
        %dma_start3A_299 = tpu.memref_squeeze %dma_start3A_298 : memref<1x4x4096xf32, #tpu.memory_space<vmem>> -> memref<4x4096xf32, #tpu.memory_space<vmem>>
        %dma_start3A_300 = arith.constant 0 : i32
        %dma_start3A_301 = tpu.memref_slice %arg6[%add3A_294, %dma_start3A_300] : memref<64x4xi32, #tpu.memory_space<vmem>> -> memref<1x4xi32, #tpu.memory_space<vmem>>
        %dma_start3A_302 = tpu.memref_squeeze %dma_start3A_301 : memref<1x4xi32, #tpu.memory_space<vmem>> -> memref<4xi32, #tpu.memory_space<vmem>>
        %dma_start3A_303 = arith.constant 0 : i32
        %dma_start3A_304 = arith.constant 0 : i32
        %dma_start3A_305 = tpu.memref_slice %arg4[%dma_start3A_303, %dma_start3A_304] : memref<50400x4096xf32, #tpu.memory_space<hbm>> -> memref<50400x4096xf32, #tpu.memory_space<hbm>>
        tpu.enqueue_indirect_dma source(%dma_start3A_305 : memref<50400x4096xf32, #tpu.memory_space<hbm>>) target(%dma_start3A_299 : memref<4x4096xf32, #tpu.memory_space<vmem>>) offsets(%dma_start3A_302 : memref<4xi32, #tpu.memory_space<vmem>>) semaphore(%arg11 : memref<!tpu.dma_semaphore, #tpu.memory_space<semaphore_mem>>)
      } else {
      }
    }
    %scan3A_61 = arith.constant 16 : i32
    return
  }
}

</mosaic_0001>

<sc_bundles>
// kernel: kernel.3.cloned.1.call-start
scs
__scs_entry_jumppad:
0x0: {  	(pc) =	sbr.rel $0x88, $3  }
0x1: {  	(tag) =	ssettag $0x0;
	lr =	simm.s32 $0x1  }
0x2: {  	[smem:$0x3F9F] =	sst lr;
	_ =	strace $0xD0000000  }
0x3: {  	_ = 	snop  }
0x4: {  	_ = 	snop  }
0x5: {  	_ = 	snop  }
0x6: {  	_ = 	snop  }
0x7: {  	_ = 	snop  }
__scs_overlays_trampoline_lowered:
0x8: {  	[smem:$0x3FAE] =	sst s0  }
0x9: {  	[smem:$0x3FAF] =	sst s1  }
0xa: {  	[smem:$0x3FB0] =	sst s2  }
0xb: {  	[smem:$0x3FB1] =	sst s3  }
0xc: {  	[smem:$0x3FB2] =	sst s4  }
0xd: {  	[smem:$0x3FB3] =	sst s5  }
0xe: {  	[smem:$0x3FB4] =	sst s6  }
0xf: {  	[smem:$0x3FB5] =	sst s7  }
0x10: {  	[smem:$0x3FB6] =	sst s8  }
0x11: {  	[smem:$0x3FB7] =	sst s9;
	s0 =	simm.s32 @!p0 $0x0  }
0x12: {  	s1 =	sld [smem:$0x3F9D];
	s0 =	simm.s32 @p0 $0x1  }
0x13: {  	[smem:$0x3FB8] =	sst s0;
	s0 =	simm.s32 @!p1 $0x0  }
0x14: {  	s2 =	sld [smem:$0x3F9C];
	s0 =	simm.s32 @p1 $0x1  }
0x15: {  	[smem:$0x3FB9] =	sst s0;
	s0 =	simm.s32 @!p2 $0x0  }
0x16: {  	s3 =	sld [smem:$0x3FDB];
	s0 =	simm.s32 @p2 $0x1  }
0x17: {  	s4 =	simm.s32 $0x1BF5;
	[smem:$0x3FBB] =	sst s0  }
0x18: {  	s0 =	sld [smem:$0x3F9E];
	_ =	swait.ge [sflag:s4], $0x0  }
0x19: {  	s7 =	sld [smem:$0x3F9F]  }
0x1a: {  	s8 =	sadd.s32 $0xFFFFE003, lr  }
0x1b: {  	s9 =	sadd.s32 $0xFFFFFEF7, lr;
	s5 =	simm.s32 $0xFFFFFFFF;
	p2 =	slt.u32 s8, $0xFFFFF086  }
0x1c: {  	p1 =	slt.u32 s9, $0xF7A;
	s5 =	simm.s32 @!p2 $0x0  }
0x1d: {  	s5 =	simm.s32 @p1 $0x1;
	p0 =	seq.s32 s7, s2  }
0x1e: {  	s7 =	smul.u32 @!p0 $0xF7A, s2;
	p2 =	seq.s32 @!p0 s5, $0x0  }
0x1f: {  	s9 =	smul.u32 $0xF7A, s1;
	s8 =	simm.s32 @!p0 $0x1BF5;
	p2 =	por !p2, p0  }
0x20: {  	[sflag:s8] =	ssyncset.s32 @!p0 $0xFFFFF086;
	s6 =	sadd.s32 @!p0 s3, s7;
	s7 =	simm.s32 @!p0 $0x108  }
0x21: {  	s3 =	sadd.s32 s3, s9;
	s6 =	sadd.s32 @!p0 $0x88, s6;
	s7 =	simm.s32 @p2 $0x1082  }
0x22: {  	[simem:s7], [sflag:s8] =	dma.local @!p0 [hbm:s6], $0xF7A  }
0x23: {  	s9 =	sor.u32 $0xD0000000, s2;
	s6 =	simm.s32 $0x108;
	_ =	swait.ge @!p0 [sflag:s8], $0x0  }
0x24: {  	s3 =	sadd.s32 $0x88, s3;
	s6 =	simm.s32 @!p1 $0x1082;
	[sflag:s4] =	ssyncset.s32 $0xFFFFF086  }
0x25: {  	[simem:s6], [sflag:s4] =	dma.local [hbm:s3], $0xF7A  }
0x26: {  	[smem:$0x3F9F] =	sst s1;
	(tag) =	ssettag s2;
	_ =	strace s9  }
0x27: {  	s1 =	sld [smem:$0x3FAF]  }
0x28: {  	s2 =	sld [smem:$0x3FB0]  }
0x29: {  	s4 =	sld [smem:$0x3FB2]  }
0x2a: {  	p0 =	seq.s32 s5, $0x0;
	s5 =	sld [smem:$0x3FB3]  }
0x2b: {  	s6 =	sld [smem:$0x3FB4]  }
0x2c: {  	s7 =	sld [smem:$0x3FB5]  }
0x2d: {  	s3 =	simm.s32 $0x108;
	s8 =	sld [smem:$0x3FB6]  }
0x2e: {  	s3 =	simm.s32 @!p0 $0x1082;
	s9 =	sld [smem:$0x3FB7]  }
0x2f: {  	lr =	sadd.s32 s0, s3;
	s0 =	sld [smem:$0x3FAE]  }
0x30: {  	s3 =	sld [smem:$0x3FB1]  }
0x31: {  	[smem:$0x3FBA] =	sst s10  }
0x32: {  	s10 =	sld [smem:$0x3FB8];
	_ =	sdelay $0x3  }
0x33: {  	p0 =	seq.s32 s10, $0x1;
	s10 =	sld [smem:$0x3FBA];
	_ =	sdelay $0x3  }
0x34: {  	[smem:$0x3FBA] =	sst s10  }
0x35: {  	s10 =	sld [smem:$0x3FB9];
	_ =	sdelay $0x3  }
0x36: {  	p1 =	seq.s32 s10, $0x1;
	s10 =	sld [smem:$0x3FBA];
	_ =	sdelay $0x3  }
0x37: {  	[smem:$0x3FBA] =	sst s10  }
0x38: {  	s10 =	sld [smem:$0x3FBB]  }
0x39: {  	_ = 	snop;
	(pc) =	sbr.ind lr, $3  }
0x3a: {  	_ = 	snop  }
0x3b: {  	_ = 	snop  }
0x3c: {  	p2 =	seq.s32 s10, $0x1;
	s10 =	sld [smem:$0x3FBA]  }
0x3d: {  	_ =	shalt  }
0x3e: {  	_ =	shalt  }
0x3f: {  	_ =	shalt  }
0x40: {  	_ =	shalt  }
0x41: {  	_ =	shalt  }
0x42: {  	_ =	shalt  }
0x43: {  	_ =	shalt  }
0x44: {  	_ =	shalt  }
0x45: {  	_ =	shalt  }
0x46: {  	_ =	shalt  }
0x47: {  	_ =	shalt  }
0x48: {  	_ =	shalt  }
0x49: {  	_ =	shalt  }
0x4a: {  	_ =	shalt  }
0x4b: {  	_ =	shalt  }
0x4c: {  	_ =	shalt  }
0x4d: {  	_ =	shalt  }
0x4e: {  	_ =	shalt  }
0x4f: {  	_ =	shalt  }
0x50: {  	_ =	shalt  }
0x51: {  	_ =	shalt  }
0x52: {  	_ =	shalt  }
0x53: {  	_ =	shalt  }
0x54: {  	_ =	shalt  }
0x55: {  	_ =	shalt  }
0x56: {  	_ =	shalt  }
0x57: {  	_ =	shalt  }
0x58: {  	_ =	shalt  }
0x59: {  	_ =	shalt  }
0x5a: {  	_ =	shalt  }
0x5b: {  	_ =	shalt  }
0x5c: {  	_ =	shalt  }
0x5d: {  	_ =	shalt  }
0x5e: {  	_ =	shalt  }
0x5f: {  	_ =	shalt  }
0x60: {  	_ =	shalt  }
0x61: {  	_ =	shalt  }
0x62: {  	_ =	shalt  }
0x63: {  	_ =	shalt  }
0x64: {  	_ =	shalt  }
0x65: {  	_ =	shalt  }
0x66: {  	_ =	shalt  }
0x67: {  	_ =	shalt  }
0x68: {  	_ =	shalt  }
0x69: {  	_ =	shalt  }
0x6a: {  	_ =	shalt  }
0x6b: {  	_ =	shalt  }
0x6c: {  	_ =	shalt  }
0x6d: {  	_ =	shalt  }
0x6e: {  	_ =	shalt  }
0x6f: {  	_ =	shalt  }
0x70: {  	_ =	shalt  }
0x71: {  	_ =	shalt  }
0x72: {  	_ =	shalt  }
0x73: {  	_ =	shalt  }
0x74: {  	_ =	shalt  }
0x75: {  	_ =	shalt  }
0x76: {  	_ =	shalt  }
0x77: {  	_ =	shalt  }
0x78: {  	_ =	shalt  }
0x79: {  	_ =	shalt  }
0x7a: {  	_ =	shalt  }
0x7b: {  	_ =	shalt  }
0x7c: {  	_ =	shalt  }
0x7d: {  	_ =	shalt  }
0x7e: {  	_ =	shalt  }
0x7f: {  	_ =	shalt  }
0x80: {  	_ =	shalt  }
0x81: {  	_ =	shalt  }
0x82: {  	_ =	shalt  }
0x83: {  	_ =	shalt  }
0x84: {  	_ =	shalt  }
0x85: {  	_ =	shalt  }
0x86: {  	_ =	shalt  }
0x87: {  	_ =	shalt  }
.Lfunc_end0:
.L_simem_size_0:
called_computation_lowered:
.L_overlay_start_0:
0x88: {  	s2 =	sld [smem:$0x3FD9]  }
0x89: {  	s3 =	sld [smem:$0x3FFE];
	_ =	sdelay $0x1  }
0x8a: {  	s1 =	srdreg.scid  }
0x8b: {  	s0 =	sand.u32 $0x1, s1  }
0x8c: {  	s17 =	sshll.u32 s0, $0xA;
	s2 =	sadd.s32 s3, s2  }
0x8d: {  	s2 =	sadd.s32 s2, s17  }
0x8e: {  	[smem:$0x3FC6] =	sst s2  }
0x8f: {  	_ = 	snop  }
0x90: {  	s2 =	sld [smem:$0x3FC8]  }
0x91: {  	s18 =	sld [smem:$0x3FD0];
	(tm) =	ssettm $0x1  }
0x92: {  	s4 =	sld [smem:$0x3FFB];
	_ =	sdelay $0x3  }
0x93: {  	_ =	strace s4  }
0x94: {  	s4 =	sld [smem:$0x3FFC];
	_ =	sdelay $0x3  }
0x95: {  	_ =	strace s4  }
0x96: {  	s4 =	sld [smem:$0x3FFD];
	_ =	sdelay $0x3  }
0x97: {  	_ =	strace s4  }
0x98: {  	_ =	strace $0x8FFFFFFF  }
0x99: {  	s19 =	sld [smem:$0x3FDB];
	_ =	sdelay $0x1  }
0x9a: {  	s5 =	simm.s32 $_scs_section_size  }
0x9b: {  	s6 =	simm.s32 $_size__tile_overlayer_lowered;
	s7 =	simm.s32 $_tile_overlayer_lowered  }
0x9c: {  	s22 =	simm.s32 $0x1BFF;
	s21 =	sshll.u32 s7, $0x1;
	s4 =	sadd.s32 s5, s19  }
0x9d: {  	s8 =	simm.s32 $0x0;
	s20 =	sshll.u32 s6, $0x1;
	s6 =	sadd.s32 s21, s4  }
0x9e: {  	[timem:s8], [sflag:s22] =	dma.local [hbm:s6], s20  }
0x9f: {  	_ =	swait.ge [sflag:s22], s20  }
0xa0: {  	s5 =	ssub.s32 $0x0, s20;
	[sflag:s22] =	ssyncset.done $0x0  }
0xa1: {  	[sflag:s22] =	ssyncadd.s32 s5;
	_ =	sdelay $0x1  }
0xa2: {  	s23 =	simm.s32 $0x1B8B  }
0xa3: {  	_ =	swait.ge [sflag:s23], $0x1  }
0xa4: {  	[sflag:s23] =	ssyncset.done $0x0  }
0xa5: {  	s25 =	simm.s32 $0x1B8E;
	s24 =	sld [smem:$0x3FFE];
	[sflag:s23] =	ssyncadd.s32 $0xFFFFFFFF  }
0xa6: {  	s26 =	simm.s32 $execute0_lowered;
	[smem:$0x3FD2] =	sst s25  }
0xa7: {  	s6 =	sshll.u32 s26, $0x1;
	_ =	strace $0x80000046;
	[dreg:$0x1] =	wrdreg $0xFFFFFFFF  }
0xa8: {  	s28 =	simm.s32 $_size_execute0_lowered;
	s4 =	sadd.s32 s4, s6;
	[dreg:$0x0] =	wrdreg $0x0  }
0xa9: {  	s6 =	sshll.u32 s28, $0x1;
	[dreg:$0x2] =	wrdreg s4  }
0xaa: {  	[dreg:$0x3] =	wrdreg s6  }
0xab: {  	[dreg:$0x4] =	wrdreg $0xC0  }
0xac: {  	_ =	task [dreg:s8], $0x5FFFF  }
0xad: {  	[dreg:$0x1] =	wrdreg $0xFFFFFFFF  }
0xae: {  	[dreg:$0x0] =	wrdreg $0x60  }
0xaf: {  	[dreg:$0x2] =	wrdreg s24  }
0xb0: {  	[dreg:$0x3] =	wrdreg s2  }
0xb1: {  	[dreg:$0x4] =	wrdreg s18  }
0xb2: {  	[dreg:$0x5] =	wrdreg $0x9  }
0xb3: {  	_ =	task.clear_ibuf [dreg:s8], $0x6FFFF;
	_ =	strace $0x90000046  }
0xb4: {  	s29 =	simm.s32 $0x9;
	_ =	strace $0x80000048  }
0xb5: {  	_ =	swait.ge [sflag:s29], $0x1  }
0xb6: {  	[sflag:s29] =	ssyncadd.s32 $0xFFFFFFFF  }
0xb7: {  	_ =	strace $0x90000048  }
0xb8: {  	_ =	sfence  }
0xb9: {  	s30 =	sld [smem:$0x0];
	_ =	sdelay $0x2  }
0xba: {  	s31 =	sshll.u32 s1, $0xD;
	s1 =	sshrl.u32 s1, $0x2  }
0xbb: {  	s3 =	sand.u32 $0x4000, s31;
	s1 =	sadd.s32 s1, s30  }
0xbc: {  	s0 =	sor.u32 s3, s0;
	s1 =	sshll.u32 s1, $0x11  }
0xbd: {  	s0 =	sor.u32 s1, s0  }
0xbe: {  	s0 =	sadd.s32 $0x8F2B, s0  }
0xbf: {  	[sflag:s0] =	ssyncadd.remote.s32 $0x1  }
0xc0: {  	_ =	sfence.sel $0xFFFF  }
0xc1: {  	[dreg:$0x0] =	wrdreg $0xFFFFFFFF;
	(pc) =	sbr.abs _section_cstart, $3  }
0xc2: {  	[dreg:$0x1] =	wrdreg $0xFFFFFFFF  }
0xc3: {  	_ =	task.clear_ibuf [dreg:s8], $0x2FFFF;
	_ =	strace $0x9FFFFFFF  }
0xc4: {  	(tm) =	ssettm $0x7FFFFFFF  }
0xc5: {  	_ =	shalt  }
tec
execute0_lowered:
.L_overlay_start_1:
0x0: {  	(tag) =	ssettag $0x1  }
0x1: {  	s0 =	rddreg [dreg:$0x0]  }
0x2: {  	s1 =	rddreg [dreg:$0x1]  }
0x3: {  	s3 =	rddreg [dreg:$0x2]  }
0x4: {  	s4 =	srdreg.scid;
	s2 =	simm.s32 $0x0;
	s7 =	stileid.u32  }
0x5: {  	s15 =	simm.s32 $0x4400;
	s23 =	simm.s32 $0x6000;
	s19 =	simm.s32 $0xE000  }
0x6: {  	s25 =	simm.s32 $0x10800;
	s28 =	simm.s32 $0x11800;
	s29 =	simm.s32 $0x1  }
0x7: {  	s30 =	simm.s32 $0x200;
	s31 =	simm.s32 $0x400;
	s16 =	simm.s32 $0x6  }
0x8: {  	s17 =	simm.s32 $0x7;
	s18 =	simm.s32 $0x8;
	s21 =	simm.s32 $0x0  }
0x9: {  	s4 =	sand.u32 $0x1, s4;
	[smem:$0x7FF] =	sst s2;
	s13 =	sshll.u32 s7, $0x11  }
0xa: {  	s14 =	sshll.u32 s7, $0xA;
	s7 =	sadd.s32 $0x800, s1;
	s8 =	sadd.s32 $0xA00, s1  }
0xb: {  	s9 =	sadd.s32 $0xC00, s1;
	s10 =	sadd.s32 $0xE00, s1;
	s5 =	ssub.s32 $0x2, s4  }
0xc: {  	_ =	strace $0x80000047;
	s12 =	sshll.u32 s4, $0x15;
	p0 =	seq.s32 s4, $0x1  }
0xd: {  	s4 =	sadd.s32 $0x200, s1;
	s6 =	sshrl.u32 s5, $0x1;
	s15 =	simm.s32 @!p0 $0x400  }
0xe: {  	s26 =	sadd.s32 s12, s3;
	s3 =	simm.s32 $0x2;
	s12 =	simm.s32 $0x4  }
.Ltmp0:
0xf: {  	s11 =	ssub.s32 s5, s6;
	s5 =	sadd.s32 $0x400, s1;
	(pc) =	sbr.rel .LBB2_1-.Ltmp0, $4  }
0x10: {  	s6 =	sadd.s32 $0x600, s1;
	s0 =	sadd.s32 s15, s0;
	s13 =	sadd.s32 s13, s26  }
0x11: {  	v0 =	vlaneseq.u32;
	s15 =	simm.s32 $0x2000;
	s26 =	simm.s32 $0x11000;
	s11 =	smax.u32 s11, $0x1  }
0x12: {  	v1 =	vshrl.u32 v0, $0x2;
	s0 =	sadd.s32 s0, s14;
	s14 =	simm.s32 $0x5;
	[dreg:$0x4] =	wrdreg s11  }
0x13: {  	vm0 =	vmmov $0xffff;
	v0 =	vand.u32 $0x3, v0;
	v1 =	vmul.u32 $0x8, v1;
	[dreg:$0x5] =	wrdreg s0;
	s0 =	simm.s32 $0xA000;
	s11 =	simm.s32 $0x3  }
.LBB2_4:
0x14: {  	_ =	swait.ge [sflag:s16], $0x4000  }
0x15: {  	[sflag:s16] =	ssyncset.done $0x0  }
0x16: {  	[sflag:s16] =	ssyncadd.s32 $0xFFFFC000  }
0x17: {  	_ =	swait.ge [sflag:s17], $0x4000  }
0x18: {  	[sflag:s17] =	ssyncset.done $0x0  }
0x19: {  	[sflag:s17] =	ssyncadd.s32 $0xFFFFC000  }
0x1a: {  	_ =	swait.ge [sflag:s18], $0x4000  }
0x1b: {  	s21 =	rddreg [dreg:$0x6]  }
0x1c: {  	s20 =	rddreg [dreg:$0x4];
	s21 =	sadd.s32 $0x1, s21  }
0x1d: {  	p0 =	sne.s32 s21, s20  }
.Ltmp1:
0x1e: {  	_ = 	snop;
	(pc) =	sbr.rel @!p0 .LBB2_5-.Ltmp1, $3  }
0x1f: {  	_ =	sdelay $0x1  }
0x20: {  	[sflag:s18] =	ssyncset.done $0x0  }
0x21: {  	[sflag:s18] =	ssyncadd.s32 $0xFFFFC000  }
.LBB2_1:
0x22: {  	[dreg:$0x6] =	wrdreg s21  }
0x23: {  	s20 =	rddreg [dreg:$0x5];
	s22 =	simm.s32 $0x9  }
0x24: {  	[tilespmem:s2], [sflag:$0x9] =	stream.linear.gather [hbm4b:s20+s2], $0x2000, $0x38;
	[tilespmem:$0x12000] =	vst v63  }
0x25: {  	_ =	swait.ge [sflag:s22], $0x2000  }
0x26: {  	[sflag:s22] =	ssyncset.done $0x0  }
0x27: {  	[sflag:s22] =	ssyncadd.s32 $0xFFFFE000  }
0x28: {  	v2 =	vld.msk [tilespmem:$0x0], $0xf;
	_ =	sdelay $0x4  }
0x29: {  	v3 =	vshll.u32 v2, $0x5  }
0x2a: {  	v2 =	vand.u32 $0x7, v2;
	v3 =	vand.u32 $0xFFFFFF00, v3  }
0x2b: {  	v2 =	vor.u32 v2, v3  }
0x2c: {  	v2 =	vperm.xlane v2, v0;
	_ =	sdelay $0x1  }
0x2d: {  	v2 =	vadd.s32 v1, v2;
	_ =	sdelay $0x4  }
0x2e: {  	[tilespmem:s15], [sflag:$0x1] =	stream.indirect_vreg.gather [hbm4b:s1+s2], $0x80, v2, vm0, $0xb8;
	[tilespmem:$0x12000] =	vst v63  }
0x2f: {  	s24 =	simm.s32 $0x2800  }
0x30: {  	[tilespmem:s24], [sflag:$0x1] =	stream.indirect_vreg.gather [hbm4b:s4+s2], $0x80, v2, vm0, $0xb8;
	[tilespmem:$0x12000] =	vst v63  }
0x31: {  	s21 =	simm.s32 $0x3000  }
0x32: {  	[tilespmem:s21], [sflag:$0x1] =	stream.indirect_vreg.gather [hbm4b:s5+s2], $0x80, v2, vm0, $0xb8;
	[tilespmem:$0x12000] =	vst v63  }
0x33: {  	s22 =	simm.s32 $0x3800  }
0x34: {  	[tilespmem:s22], [sflag:$0x1] =	stream.indirect_vreg.gather [hbm4b:s6+s2], $0x80, v2, vm0, $0xb8;
	[tilespmem:$0x12000] =	vst v63  }
0x35: {  	s24 =	simm.s32 $0x4000  }
0x36: {  	[tilespmem:s24], [sflag:$0x1] =	stream.indirect_vreg.gather [hbm4b:s7+s2], $0x80, v2, vm0, $0xb8;
	[tilespmem:$0x12000] =	vst v63  }
0x37: {  	s21 =	simm.s32 $0x4800  }
0x38: {  	[tilespmem:s21], [sflag:$0x1] =	stream.indirect_vreg.gather [hbm4b:s8+s2], $0x80, v2, vm0, $0xb8;
	[tilespmem:$0x12000] =	vst v63  }
0x39: {  	s22 =	simm.s32 $0x5000  }
0x3a: {  	[tilespmem:s22], [sflag:$0x1] =	stream.indirect_vreg.gather [hbm4b:s9+s2], $0x80, v2, vm0, $0xb8;
	[tilespmem:$0x12000] =	vst v63  }
0x3b: {  	s24 =	simm.s32 $0x5800  }
0x3c: {  	[tilespmem:s24], [sflag:$0x1] =	stream.indirect_vreg.gather [hbm4b:s10+s2], $0x80, v2, vm0, $0xb8;
	[tilespmem:$0x12000] =	vst v63  }
0x3d: {  	v2 =	vld.msk [tilespmem:$0x80], $0xf;
	_ =	sdelay $0x4  }
0x3e: {  	v3 =	vshll.u32 v2, $0x5  }
0x3f: {  	v2 =	vand.u32 $0x7, v2;
	v3 =	vand.u32 $0xFFFFFF00, v3  }
0x40: {  	v2 =	vor.u32 v2, v3  }
0x41: {  	v2 =	vperm.xlane v2, v0;
	_ =	sdelay $0x1  }
0x42: {  	v2 =	vadd.s32 v1, v2;
	_ =	sdelay $0x4  }
0x43: {  	[tilespmem:s23], [sflag:$0x2] =	stream.indirect_vreg.gather [hbm4b:s1+s2], $0x80, v2, vm0, $0xb8;
	[tilespmem:$0x12000] =	vst v63  }
0x44: {  	s21 =	simm.s32 $0x6800  }
0x45: {  	[tilespmem:s21], [sflag:$0x2] =	stream.indirect_vreg.gather [hbm4b:s4+s2], $0x80, v2, vm0, $0xb8;
	[tilespmem:$0x12000] =	vst v63  }
0x46: {  	s22 =	simm.s32 $0x7000  }
0x47: {  	[tilespmem:s22], [sflag:$0x2] =	stream.indirect_vreg.gather [hbm4b:s5+s2], $0x80, v2, vm0, $0xb8;
	[tilespmem:$0x12000] =	vst v63  }
0x48: {  	s24 =	simm.s32 $0x7800  }
0x49: {  	[tilespmem:s24], [sflag:$0x2] =	stream.indirect_vreg.gather [hbm4b:s6+s2], $0x80, v2, vm0, $0xb8;
	[tilespmem:$0x12000] =	vst v63  }
0x4a: {  	s21 =	simm.s32 $0x8000  }
0x4b: {  	[tilespmem:s21], [sflag:$0x2] =	stream.indirect_vreg.gather [hbm4b:s7+s2], $0x80, v2, vm0, $0xb8;
	[tilespmem:$0x12000] =	vst v63  }
0x4c: {  	s22 =	simm.s32 $0x8800  }
0x4d: {  	[tilespmem:s22], [sflag:$0x2] =	stream.indirect_vreg.gather [hbm4b:s8+s2], $0x80, v2, vm0, $0xb8;
	[tilespmem:$0x12000] =	vst v63  }
0x4e: {  	s24 =	simm.s32 $0x9000  }
0x4f: {  	[tilespmem:s24], [sflag:$0x2] =	stream.indirect_vreg.gather [hbm4b:s9+s2], $0x80, v2, vm0, $0xb8;
	[tilespmem:$0x12000] =	vst v63  }
0x50: {  	s21 =	simm.s32 $0x9800  }
0x51: {  	[tilespmem:s21], [sflag:$0x2] =	stream.indirect_vreg.gather [hbm4b:s10+s2], $0x80, v2, vm0, $0xb8;
	[tilespmem:$0x12000] =	vst v63  }
0x52: {  	v2 =	vld.msk [tilespmem:$0x100], $0xf;
	_ =	sdelay $0x4  }
0x53: {  	v3 =	vshll.u32 v2, $0x5  }
0x54: {  	v2 =	vand.u32 $0x7, v2;
	v3 =	vand.u32 $0xFFFFFF00, v3  }
0x55: {  	v2 =	vor.u32 v2, v3  }
0x56: {  	v2 =	vperm.xlane v2, v0;
	_ =	sdelay $0x1  }
0x57: {  	v2 =	vadd.s32 v1, v2;
	_ =	sdelay $0x4  }
0x58: {  	[tilespmem:s0], [sflag:$0x3] =	stream.indirect_vreg.gather [hbm4b:s1+s2], $0x80, v2, vm0, $0xb8;
	[tilespmem:$0x12000] =	vst v63  }
0x59: {  	s22 =	simm.s32 $0xA800  }
0x5a: {  	[tilespmem:s22], [sflag:$0x3] =	stream.indirect_vreg.gather [hbm4b:s4+s2], $0x80, v2, vm0, $0xb8;
	[tilespmem:$0x12000] =	vst v63  }
0x5b: {  	s24 =	simm.s32 $0xB000  }
0x5c: {  	[tilespmem:s24], [sflag:$0x3] =	stream.indirect_vreg.gather [hbm4b:s5+s2], $0x80, v2, vm0, $0xb8;
	[tilespmem:$0x12000] =	vst v63  }
0x5d: {  	s21 =	simm.s32 $0xB800  }
0x5e: {  	[tilespmem:s21], [sflag:$0x3] =	stream.indirect_vreg.gather [hbm4b:s6+s2], $0x80, v2, vm0, $0xb8;
	[tilespmem:$0x12000] =	vst v63  }
0x5f: {  	s22 =	simm.s32 $0xC000  }
0x60: {  	[tilespmem:s22], [sflag:$0x3] =	stream.indirect_vreg.gather [hbm4b:s7+s2], $0x80, v2, vm0, $0xb8;
	[tilespmem:$0x12000] =	vst v63  }
0x61: {  	s24 =	simm.s32 $0xC800  }
0x62: {  	[tilespmem:s24], [sflag:$0x3] =	stream.indirect_vreg.gather [hbm4b:s8+s2], $0x80, v2, vm0, $0xb8;
	[tilespmem:$0x12000] =	vst v63  }
0x63: {  	s21 =	simm.s32 $0xD000  }
0x64: {  	[tilespmem:s21], [sflag:$0x3] =	stream.indirect_vreg.gather [hbm4b:s9+s2], $0x80, v2, vm0, $0xb8;
	[tilespmem:$0x12000] =	vst v63  }
0x65: {  	s22 =	simm.s32 $0xD800  }
0x66: {  	[tilespmem:s22], [sflag:$0x3] =	stream.indirect_vreg.gather [hbm4b:s10+s2], $0x80, v2, vm0, $0xb8;
	[tilespmem:$0x12000] =	vst v63  }
0x67: {  	v2 =	vld.msk [tilespmem:$0x180], $0xf;
	_ =	sdelay $0x4  }
0x68: {  	v3 =	vshll.u32 v2, $0x5  }
0x69: {  	v2 =	vand.u32 $0x7, v2;
	v3 =	vand.u32 $0xFFFFFF00, v3  }
0x6a: {  	v2 =	vor.u32 v2, v3  }
0x6b: {  	v2 =	vperm.xlane v2, v0;
	_ =	sdelay $0x1  }
0x6c: {  	v2 =	vadd.s32 v1, v2;
	_ =	sdelay $0x4  }
0x6d: {  	[tilespmem:s19], [sflag:$0x4] =	stream.indirect_vreg.gather [hbm4b:s1+s2], $0x80, v2, vm0, $0xb8;
	[tilespmem:$0x12000] =	vst v63  }
0x6e: {  	s24 =	simm.s32 $0xE800  }
0x6f: {  	[tilespmem:s24], [sflag:$0x4] =	stream.indirect_vreg.gather [hbm4b:s4+s2], $0x80, v2, vm0, $0xb8;
	[tilespmem:$0x12000] =	vst v63  }
0x70: {  	s21 =	simm.s32 $0xF000  }
0x71: {  	[tilespmem:s21], [sflag:$0x4] =	stream.indirect_vreg.gather [hbm4b:s5+s2], $0x80, v2, vm0, $0xb8;
	[tilespmem:$0x12000] =	vst v63  }
0x72: {  	s22 =	simm.s32 $0xF800  }
0x73: {  	[tilespmem:s22], [sflag:$0x4] =	stream.indirect_vreg.gather [hbm4b:s6+s2], $0x80, v2, vm0, $0xb8;
	[tilespmem:$0x12000] =	vst v63  }
0x74: {  	s24 =	simm.s32 $0x10000  }
0x75: {  	[tilespmem:s24], [sflag:$0x4] =	stream.indirect_vreg.gather [hbm4b:s7+s2], $0x80, v2, vm0, $0xb8;
	[tilespmem:$0x12000] =	vst v63  }
0x76: {  	_ = 	snop  }
0x77: {  	[tilespmem:s25], [sflag:$0x4] =	stream.indirect_vreg.gather [hbm4b:s8+s2], $0x80, v2, vm0, $0xb8;
	[tilespmem:$0x12000] =	vst v63  }
0x78: {  	_ = 	snop  }
0x79: {  	[tilespmem:s26], [sflag:$0x4] =	stream.indirect_vreg.gather [hbm4b:s9+s2], $0x80, v2, vm0, $0xb8;
	[tilespmem:$0x12000] =	vst v63  }
0x7a: {  	s20 =	simm.s32 $0x380;
	s21 =	simm.s32 $0x0  }
0x7b: {  	[tilespmem:s28], [sflag:$0x4] =	stream.indirect_vreg.gather [hbm4b:s10+s2], $0x80, v2, vm0, $0xb8;
	[tilespmem:$0x12000] =	vst v63  }
.LBB2_2:
0x7c: {  	_ =	swait.ge [sflag:s29], $0x4000  }
0x7d: {  	[sflag:s29] =	ssyncset.done $0x0  }
0x7e: {  	s22 =	sadd.s32 s21, s13;
	[sflag:s29] =	ssyncadd.s32 $0xFFFFC000  }
0x7f: {  	[hbm4b:s22+s30] =	stream.strided.scatter [tilespmem:s15], [sflag:$0x5], $0x4000, s31, s30, $0x38;
	[tilespmem:$0x12000] =	vst v63  }
0x80: {  	_ =	swait.ge [sflag:s3], $0x4000  }
0x81: {  	[sflag:s3] =	ssyncset.done $0x0  }
0x82: {  	s24 =	sadd.s32 $0x40, s22;
	[sflag:s3] =	ssyncadd.s32 $0xFFFFC000  }
0x83: {  	[hbm4b:s24+s30] =	stream.strided.scatter [tilespmem:s23], [sflag:$0x6], $0x4000, s31, s30, $0x38;
	[tilespmem:$0x12000] =	vst v63  }
0x84: {  	_ =	swait.ge [sflag:s11], $0x4000  }
0x85: {  	[sflag:s11] =	ssyncset.done $0x0  }
0x86: {  	s24 =	sadd.s32 $0x1000, s22;
	[sflag:s11] =	ssyncadd.s32 $0xFFFFC000  }
0x87: {  	[hbm4b:s24+s30] =	stream.strided.scatter [tilespmem:s0], [sflag:$0x7], $0x4000, s31, s30, $0x38;
	[tilespmem:$0x12000] =	vst v63  }
0x88: {  	_ =	swait.ge [sflag:s12], $0x4000  }
0x89: {  	p0 =	seq.s32 s21, $0x1E000;
	[sflag:s12] =	ssyncset.done $0x0  }
.Ltmp2:
0x8a: {  	s22 =	sadd.s32 $0x1040, s22;
	[sflag:s12] =	ssyncadd.s32 $0xFFFFC000;
	(pc) =	sbr.rel @p0 .LBB2_4-.Ltmp2, $4  }
0x8b: {  	[hbm4b:s22+s30] =	stream.strided.scatter [tilespmem:s19], [sflag:$0x8], $0x4000, s31, s30, $0x38;
	[tilespmem:$0x12000] =	vst v63  }
0x8c: {  	_ =	swait.ge [sflag:s14], $0x4000  }
0x8d: {  	[sflag:s14] =	ssyncset.done $0x0  }
0x8e: {  	[sflag:s14] =	ssyncadd.s32 $0xFFFFC000  }
0x8f: {  	v2 =	vld.msk [tilespmem:s20+$0xFFFFFE80], $0xf;
	_ =	sdelay $0x4  }
0x90: {  	v3 =	vshll.u32 v2, $0x5  }
0x91: {  	v2 =	vand.u32 $0x7, v2;
	v3 =	vand.u32 $0xFFFFFF00, v3  }
0x92: {  	v2 =	vor.u32 v2, v3  }
0x93: {  	v2 =	vperm.xlane v2, v0;
	_ =	sdelay $0x1  }
0x94: {  	v2 =	vadd.s32 v1, v2;
	_ =	sdelay $0x4  }
0x95: {  	[tilespmem:s15], [sflag:$0x1] =	stream.indirect_vreg.gather [hbm4b:s1+s2], $0x80, v2, vm0, $0xb8;
	[tilespmem:$0x12000] =	vst v63  }
0x96: {  	s22 =	simm.s32 $0x2800  }
0x97: {  	[tilespmem:s22], [sflag:$0x1] =	stream.indirect_vreg.gather [hbm4b:s4+s2], $0x80, v2, vm0, $0xb8;
	[tilespmem:$0x12000] =	vst v63  }
0x98: {  	s24 =	simm.s32 $0x3000  }
0x99: {  	[tilespmem:s24], [sflag:$0x1] =	stream.indirect_vreg.gather [hbm4b:s5+s2], $0x80, v2, vm0, $0xb8;
	[tilespmem:$0x12000] =	vst v63  }
0x9a: {  	s24 =	simm.s32 $0x3800  }
0x9b: {  	[tilespmem:s24], [sflag:$0x1] =	stream.indirect_vreg.gather [hbm4b:s6+s2], $0x80, v2, vm0, $0xb8;
	[tilespmem:$0x12000] =	vst v63  }
0x9c: {  	s24 =	simm.s32 $0x4000  }
0x9d: {  	[tilespmem:s24], [sflag:$0x1] =	stream.indirect_vreg.gather [hbm4b:s7+s2], $0x80, v2, vm0, $0xb8;
	[tilespmem:$0x12000] =	vst v63  }
0x9e: {  	s24 =	simm.s32 $0x4800  }
0x9f: {  	[tilespmem:s24], [sflag:$0x1] =	stream.indirect_vreg.gather [hbm4b:s8+s2], $0x80, v2, vm0, $0xb8;
	[tilespmem:$0x12000] =	vst v63  }
0xa0: {  	s24 =	simm.s32 $0x5000  }
0xa1: {  	[tilespmem:s24], [sflag:$0x1] =	stream.indirect_vreg.gather [hbm4b:s9+s2], $0x80, v2, vm0, $0xb8;
	[tilespmem:$0x12000] =	vst v63  }
0xa2: {  	s24 =	simm.s32 $0x5800  }
0xa3: {  	[tilespmem:s24], [sflag:$0x1] =	stream.indirect_vreg.gather [hbm4b:s10+s2], $0x80, v2, vm0, $0xb8;
	[tilespmem:$0x12000] =	vst v63  }
0xa4: {  	_ =	swait.ge [sflag:s16], $0x4000  }
0xa5: {  	[sflag:s16] =	ssyncset.done $0x0  }
0xa6: {  	[sflag:s16] =	ssyncadd.s32 $0xFFFFC000  }
0xa7: {  	v2 =	vld.msk [tilespmem:s20+$0xFFFFFF00], $0xf;
	_ =	sdelay $0x4  }
0xa8: {  	v3 =	vshll.u32 v2, $0x5  }
0xa9: {  	v2 =	vand.u32 $0x7, v2;
	v3 =	vand.u32 $0xFFFFFF00, v3  }
0xaa: {  	v2 =	vor.u32 v2, v3  }
0xab: {  	v2 =	vperm.xlane v2, v0;
	_ =	sdelay $0x1  }
0xac: {  	v2 =	vadd.s32 v1, v2;
	_ =	sdelay $0x4  }
0xad: {  	[tilespmem:s23], [sflag:$0x2] =	stream.indirect_vreg.gather [hbm4b:s1+s2], $0x80, v2, vm0, $0xb8;
	[tilespmem:$0x12000] =	vst v63  }
0xae: {  	s24 =	simm.s32 $0x6800  }
0xaf: {  	[tilespmem:s24], [sflag:$0x2] =	stream.indirect_vreg.gather [hbm4b:s4+s2], $0x80, v2, vm0, $0xb8;
	[tilespmem:$0x12000] =	vst v63  }
0xb0: {  	s24 =	simm.s32 $0x7000  }
0xb1: {  	[tilespmem:s24], [sflag:$0x2] =	stream.indirect_vreg.gather [hbm4b:s5+s2], $0x80, v2, vm0, $0xb8;
	[tilespmem:$0x12000] =	vst v63  }
0xb2: {  	s24 =	simm.s32 $0x7800  }
0xb3: {  	[tilespmem:s24], [sflag:$0x2] =	stream.indirect_vreg.gather [hbm4b:s6+s2], $0x80, v2, vm0, $0xb8;
	[tilespmem:$0x12000] =	vst v63  }
0xb4: {  	s24 =	simm.s32 $0x8000  }
0xb5: {  	[tilespmem:s24], [sflag:$0x2] =	stream.indirect_vreg.gather [hbm4b:s7+s2], $0x80, v2, vm0, $0xb8;
	[tilespmem:$0x12000] =	vst v63  }
0xb6: {  	s24 =	simm.s32 $0x8800  }
0xb7: {  	[tilespmem:s24], [sflag:$0x2] =	stream.indirect_vreg.gather [hbm4b:s8+s2], $0x80, v2, vm0, $0xb8;
	[tilespmem:$0x12000] =	vst v63  }
0xb8: {  	s24 =	simm.s32 $0x9000  }
0xb9: {  	[tilespmem:s24], [sflag:$0x2] =	stream.indirect_vreg.gather [hbm4b:s9+s2], $0x80, v2, vm0, $0xb8;
	[tilespmem:$0x12000] =	vst v63  }
0xba: {  	s24 =	simm.s32 $0x9800  }
0xbb: {  	[tilespmem:s24], [sflag:$0x2] =	stream.indirect_vreg.gather [hbm4b:s10+s2], $0x80, v2, vm0, $0xb8;
	[tilespmem:$0x12000] =	vst v63  }
0xbc: {  	_ =	swait.ge [sflag:s17], $0x4000  }
0xbd: {  	[sflag:s17] =	ssyncset.done $0x0  }
0xbe: {  	[sflag:s17] =	ssyncadd.s32 $0xFFFFC000  }
0xbf: {  	v2 =	vld.msk [tilespmem:s20+$0xFFFFFF80], $0xf;
	_ =	sdelay $0x4  }
0xc0: {  	v3 =	vshll.u32 v2, $0x5  }
0xc1: {  	v2 =	vand.u32 $0x7, v2;
	v3 =	vand.u32 $0xFFFFFF00, v3  }
0xc2: {  	v2 =	vor.u32 v2, v3  }
0xc3: {  	v2 =	vperm.xlane v2, v0;
	_ =	sdelay $0x1  }
0xc4: {  	v2 =	vadd.s32 v1, v2;
	_ =	sdelay $0x4  }
0xc5: {  	[tilespmem:s0], [sflag:$0x3] =	stream.indirect_vreg.gather [hbm4b:s1+s2], $0x80, v2, vm0, $0xb8;
	[tilespmem:$0x12000] =	vst v63  }
0xc6: {  	s24 =	simm.s32 $0xA800  }
0xc7: {  	[tilespmem:s24], [sflag:$0x3] =	stream.indirect_vreg.gather [hbm4b:s4+s2], $0x80, v2, vm0, $0xb8;
	[tilespmem:$0x12000] =	vst v63  }
0xc8: {  	s24 =	simm.s32 $0xB000  }
0xc9: {  	[tilespmem:s24], [sflag:$0x3] =	stream.indirect_vreg.gather [hbm4b:s5+s2], $0x80, v2, vm0, $0xb8;
	[tilespmem:$0x12000] =	vst v63  }
0xca: {  	s24 =	simm.s32 $0xB800  }
0xcb: {  	[tilespmem:s24], [sflag:$0x3] =	stream.indirect_vreg.gather [hbm4b:s6+s2], $0x80, v2, vm0, $0xb8;
	[tilespmem:$0x12000] =	vst v63  }
0xcc: {  	s24 =	simm.s32 $0xC000  }
0xcd: {  	[tilespmem:s24], [sflag:$0x3] =	stream.indirect_vreg.gather [hbm4b:s7+s2], $0x80, v2, vm0, $0xb8;
	[tilespmem:$0x12000] =	vst v63  }
0xce: {  	s24 =	simm.s32 $0xC800  }
0xcf: {  	[tilespmem:s24], [sflag:$0x3] =	stream.indirect_vreg.gather [hbm4b:s8+s2], $0x80, v2, vm0, $0xb8;
	[tilespmem:$0x12000] =	vst v63  }
0xd0: {  	s24 =	simm.s32 $0xD000  }
0xd1: {  	[tilespmem:s24], [sflag:$0x3] =	stream.indirect_vreg.gather [hbm4b:s9+s2], $0x80, v2, vm0, $0xb8;
	[tilespmem:$0x12000] =	vst v63  }
0xd2: {  	s24 =	simm.s32 $0xD800  }
0xd3: {  	[tilespmem:s24], [sflag:$0x3] =	stream.indirect_vreg.gather [hbm4b:s10+s2], $0x80, v2, vm0, $0xb8;
	[tilespmem:$0x12000] =	vst v63  }
0xd4: {  	_ =	swait.ge [sflag:s18], $0x4000  }
0xd5: {  	[sflag:s18] =	ssyncset.done $0x0  }
0xd6: {  	[sflag:s18] =	ssyncadd.s32 $0xFFFFC000  }
0xd7: {  	v2 =	vld.msk [tilespmem:s20+$0x0], $0xf;
	_ =	sdelay $0x4  }
0xd8: {  	v3 =	vshll.u32 v2, $0x5  }
0xd9: {  	v2 =	vand.u32 $0x7, v2;
	v3 =	vand.u32 $0xFFFFFF00, v3  }
0xda: {  	v2 =	vor.u32 v2, v3  }
0xdb: {  	v2 =	vperm.xlane v2, v0;
	_ =	sdelay $0x1  }
0xdc: {  	v2 =	vadd.s32 v1, v2;
	_ =	sdelay $0x4  }
0xdd: {  	[tilespmem:s19], [sflag:$0x4] =	stream.indirect_vreg.gather [hbm4b:s1+s2], $0x80, v2, vm0, $0xb8;
	[tilespmem:$0x12000] =	vst v63  }
0xde: {  	s24 =	simm.s32 $0xE800  }
0xdf: {  	[tilespmem:s24], [sflag:$0x4] =	stream.indirect_vreg.gather [hbm4b:s4+s2], $0x80, v2, vm0, $0xb8;
	[tilespmem:$0x12000] =	vst v63  }
0xe0: {  	s24 =	simm.s32 $0xF000  }
0xe1: {  	[tilespmem:s24], [sflag:$0x4] =	stream.indirect_vreg.gather [hbm4b:s5+s2], $0x80, v2, vm0, $0xb8;
	[tilespmem:$0x12000] =	vst v63  }
0xe2: {  	s24 =	simm.s32 $0xF800  }
0xe3: {  	[tilespmem:s24], [sflag:$0x4] =	stream.indirect_vreg.gather [hbm4b:s6+s2], $0x80, v2, vm0, $0xb8;
	[tilespmem:$0x12000] =	vst v63  }
0xe4: {  	s24 =	simm.s32 $0x10000  }
0xe5: {  	[tilespmem:s24], [sflag:$0x4] =	stream.indirect_vreg.gather [hbm4b:s7+s2], $0x80, v2, vm0, $0xb8;
	[tilespmem:$0x12000] =	vst v63  }
0xe6: {  	_ = 	snop  }
0xe7: {  	[tilespmem:s25], [sflag:$0x4] =	stream.indirect_vreg.gather [hbm4b:s8+s2], $0x80, v2, vm0, $0xb8;
	[tilespmem:$0x12000] =	vst v63  }
.Ltmp3:
0xe8: {  	_ = 	snop;
	(pc) =	sbr.rel .LBB2_2-.Ltmp3, $4  }
0xe9: {  	_ = 	snop  }
0xea: {  	[tilespmem:s26], [sflag:$0x4] =	stream.indirect_vreg.gather [hbm4b:s9+s2], $0x80, v2, vm0, $0xb8;
	[tilespmem:$0x12000] =	vst v63  }
0xeb: {  	s21 =	sadd.s32 $0x2000, s21;
	s20 =	sadd.s32 $0x200, s20  }
0xec: {  	[tilespmem:s28], [sflag:$0x4] =	stream.indirect_vreg.gather [hbm4b:s10+s2], $0x80, v2, vm0, $0xb8;
	[tilespmem:$0x12000] =	vst v63  }
.LBB2_5:
0xed: {  	_ =	sfence.sel $0x180000  }
0xee: {  	[bflag:$0x0] =	sbarrier.arrive $0xFFFF  }
0xef: {  	_ =	strace $0x90000047  }
0xf0: {  	s0 =	stileid.u32;
	[bflag:$0x2] =	sbarrier.arrive $0xFFFF  }
0xf1: {  	p0 =	sne.s32 s0, $0x0;
	s0 =	rddreg [dreg:$0x3]  }
0xf2: {  	s0 =	sadd.s32 @!p0 $0x100000, s0  }
0xf3: {  	[sflag:s0] =	ssyncadd.tile.s32 @!p0 $0x1;
	_ =	shalt  }
.Lfunc_end2:
_tile_overlayer_lowered:
.L_overlay_start_2:
0xf4: {  	(tag) =	ssettag $0x2  }
0xf5: {  	s0 =	rddreg [dreg:$0x0];
	s2 =	stileid.u32  }
0xf6: {  	s1 =	rddreg [dreg:$0x1];
	p0 =	sne.s32 s2, $0x0  }
0xf7: {  	s3 =	rddreg [dreg:$0x2];
	[bflag:$0x3] =	sbarrier.arrive $0xFFFF;
	s2 =	simm.s32 @!p0 $0x1C09  }
0xf8: {  	[timem:s3], [sflag:s2] =	dma.local @!p0 [hbm:s0], s1  }
0xf9: {  	s0 =	simm.s32 @!p0 $0x9  }
0xfa: {  	_ =	swait.ge @!p0 [sflag:s0], s1  }
0xfb: {  	s1 =	ssub.s32 @!p0 $0x0, s1;
	[sflag:s0] =	ssyncset.done @!p0 $0x0  }
0xfc: {  	[sflag:s0] =	ssyncadd.s32 @!p0 s1  }
0xfd: {  	[bflag:$0x3] =	sbarrier.arrive $0xFFFF  }
0xfe: {  	_ =	shalt  }

</sc_bundles>
